<compile_context>
chip_gen: v7x
topology: tpu7x:2x2x1
jax: 0.10.2.dev20260603
libtpu: 0.0.44.dev20260713+nightly
codegen_flags: <defaults>
</compile_context>

<pallas_src>
import functools

import jax
import jax.numpy as jnp
from jax import lax
from jax.experimental import pallas as pl
from jax.experimental.pallas import tpu as pltpu
from jax.experimental.pallas import tpu_sc as plsc

K = 8192
KSCALE = K - 0.5
NC, NS = 2, 16
NW = NC * NS
CHUNKS_PER_CLASS = 4
SUB = 8192


def _softmax_body(x_ref, l_ref, o_ref):
    x = x_ref[...]
    m = jnp.max(x, axis=1, keepdims=True)
    e = jnp.exp(x - m)
    p = e / jnp.sum(e, axis=1, keepdims=True)
    t1 = p * KSCALE
    cls = lax.broadcasted_iota(jnp.int32, x.shape, 1)
    flag = l_ref[...][:, None, :, :] == cls
    v = jnp.where(flag, KSCALE - t1, t1 + float(K))
    o_ref[...] = jnp.reshape(v.astype(jnp.int32), o_ref.shape)


def _softmax_classmajor(logits, labels):
    B, C, H, W = logits.shape
    hb = H // 8
    rpb = W // 128 * 8
    nrow = B * hb * rpb
    return pl.pallas_call(
        _softmax_body,
        grid=(B, hb),
        in_specs=[
            pl.BlockSpec((1, C, 8, W), lambda b, i: (b, 0, i, 0)),
            pl.BlockSpec((1, 8, W), lambda b, i: (b, i, 0)),
        ],
        out_specs=pl.BlockSpec((C, rpb, 128), lambda b, i: (0, b * hb + i, 0)),
        out_shape=jax.ShapeDtypeStruct((C, nrow, 128), jnp.int32),
    )(logits, labels)


def _sc_hist_body(nt, nrow, idx_hbm, out_hbm, table, ibuf, sem0, sem1):
    rps = SUB // 128
    chunk_rows = nrow // CHUNKS_PER_CLASS
    nsub = chunk_rows // rps
    wid = lax.axis_index("s") * NC + lax.axis_index("c")
    ntasks_per_worker = (nt + NW - 1) // NW
    sems = (sem0, sem1)

    def stage_start(c, r0, par):
        pltpu.make_async_copy(
            idx_hbm.at[c, pl.ds(r0, rps), :], ibuf.at[par], sems[par]
        ).start()

    def stage_wait(c, par):
        pltpu.make_async_copy(
            idx_hbm.at[c, pl.ds(0, rps), :], ibuf.at[par], sems[par]
        ).wait()

    for ti in range(ntasks_per_worker):
        t = wid + NW * ti

        @pl.when(t < nt)
        def _process():
            c = t // CHUNKS_PER_CLASS
            r_base = (t % CHUNKS_PER_CLASS) * chunk_rows

            stage_start(c, r_base, 0)

            @plsc.parallel_loop(0, (2 * K) // 16, unroll=8)
            def _zero(j):
                table[pl.ds(j * 16, 16)] = jnp.zeros((16,), jnp.float32)

            ones = jnp.ones((16,), jnp.float32)

            def sub_body(s2, carry):
                for par in range(2):
                    s = s2 + par

                    @pl.when(s + 1 < nsub)
                    def _prefetch():
                        stage_start(c, r_base + (s + 1) * rps, 1 - par)

                    stage_wait(c, par)

                    @plsc.parallel_loop(0, rps, unroll=2)
                    def _row(r):
                        for cj in range(8):
                            i1 = ibuf[par, r, pl.ds(cj * 16, 16)]
                            plsc.addupdate_scatter(table, [i1], ones)

                return carry

            lax.fori_loop(0, nsub // 2, lambda i, cr: sub_body(i * 2, cr), 0)
            pltpu.sync_copy(table, out_hbm.at[pl.ds(t * 2 * K, 2 * K)])


def _sc_hist(idx3):
    c_sz, nrow, _ = idx3.shape
    nt = c_sz * CHUNKS_PER_CLASS
    mesh = plsc.VectorSubcoreMesh(core_axis_name="c", subcore_axis_name="s")
    body = functools.partial(_sc_hist_body, nt, nrow)
    rps = SUB // 128
    return pl.kernel(
        body,
        mesh=mesh,
        compiler_params=pltpu.CompilerParams(needs_layout_passes=False),
        out_type=jax.ShapeDtypeStruct((nt * 2 * K,), jnp.float32),
        scratch_types=[
            pltpu.VMEM((2 * K,), jnp.float32),
            pltpu.VMEM((2, rps, 128), jnp.int32),
            pltpu.SemaphoreType.DMA,
            pltpu.SemaphoreType.DMA,
        ],
    )(idx3)


def _finalize_body(t_ref, o_ref):
    nt, _, rr, ll = t_ref.shape
    c_cls = nt // CHUNKS_PER_CLASS
    w = 1.0 / KSCALE

    x = t_ref[...]
    x = jnp.reshape(x, (c_cls, CHUNKS_PER_CLASS, 2, rr, ll))
    x = jnp.sum(x, axis=1)
    cnt_f = x[:, 0]
    cnt_b = x[:, 1]
    m_f_c = cnt_f * (w * 0.5)
    m_b_c = cnt_b * (w * 0.5)

    ii = lax.broadcasted_iota(jnp.int32, (ll, ll), 0)
    jj = lax.broadcasted_iota(jnp.int32, (ll, ll), 1)
    lane_tri = (ii <= jj).astype(jnp.float32)
    i2 = lax.broadcasted_iota(jnp.int32, (rr, rr), 0)
    j2 = lax.broadcasted_iota(jnp.int32, (rr, rr), 1)
    row_tri = (i2 < j2).astype(jnp.float32)

    def incl_cumsum(y):
        flat = jnp.reshape(y, (c_cls * rr, ll))
        rowp = jnp.dot(flat, lane_tri, preferred_element_type=jnp.float32)
        rowp = jnp.reshape(rowp, (c_cls, rr, ll))
        sums = jnp.sum(y, axis=-1)
        blockp = jnp.dot(sums, row_tri, preferred_element_type=jnp.float32)
        return rowp + blockp[:, :, None]

    incl_f = incl_cumsum(cnt_f)
    incl_b = incl_cumsum(cnt_b)

    g = jnp.sum(jnp.sum(cnt_f, axis=-1), axis=-1)
    tot_b = jnp.sum(jnp.sum(cnt_b, axis=-1), axis=-1)
    g3 = g[:, None, None]
    f_above = g3 - incl_f
    b_above = tot_b[:, None, None] - incl_b

    uu = jnp.maximum(g3 + b_above, 1.0)
    phi = g3 - f_above
    sf = m_f_c
    sb = m_b_c
    inv_u = 1.0 / uu
    t_term = (phi * w - sf) * inv_u
    t_term = t_term - phi * sb * inv_u * inv_u
    t_term = t_term + (cnt_f * cnt_b + phi * cnt_b * cnt_b * inv_u) \
        * (w / 3.0) * inv_u * inv_u

    t_sum = jnp.sum(jnp.sum(t_term, axis=-1), axis=-1)
    loss_c = 1.0 - t_sum
    present = (g > 0.5).astype(jnp.float32)
    num = jnp.sum(loss_c * present)
    den = jnp.maximum(jnp.sum(present), 1.0)
    o_ref[...] = jnp.reshape(num / den, (1, 1))


def _finalize(tables):
    out = pl.pallas_call(
        _finalize_body,
        out_shape=jax.ShapeDtypeStruct((1, 1), jnp.float32),
    )(tables)
    return out


def kernel(logits, labels):
    B, C, H, W = logits.shape
    idx3 = _softmax_classmajor(logits, labels.astype(jnp.int32))
    tables = _sc_hist(idx3)
    tables4 = tables.reshape(C * CHUNKS_PER_CLASS, 2, K // 128, 128)
    out = _finalize(tables4)
    return out.reshape(())

# --- scband reference (transcript-rebuilt; emitter-appended) ---
"""Pipeline reference for scband-lovasz-softmax-loss-53300544143723 (READ-ONLY COPY).

The authoritative reference and input builder live on the scoring server;
editing this copy changes nothing except your own understanding.
"""

import jax, jax.numpy as jnp
import numpy as np

B, C, H, W = 2, 21, 512, 512

def setup_inputs(seed: int = 0) -> dict:
    key = jax.random.key(seed)
    k1, k2 = jax.random.split(key)
    logits = jax.random.normal(k1, (B, C, H, W), dtype=jnp.float32)
    labels = jax.random.randint(k2, (B, H, W), 0, C, dtype=jnp.int64)
    return {"logits": logits, "labels": labels}

def _lovasz_softmax(probas, labels):
    # probas: [B, C, H, W] softmax probabilities; labels: [B, H, W] int
    c = probas.shape[1]
    probas_flat = probas.transpose(0, 2, 3, 1).reshape(-1, c)  # [N, C]
    labels_flat = labels.reshape(-1)  # [N]
    fg = (labels_flat[None, :] == jnp.arange(c)[:, None]).astype(jnp.float32)  # [C, N]
    errors = jnp.abs(fg - probas_flat.T)  # [C, N]
    perm = jnp.argsort(-errors, axis=1)
    errors_sorted = jnp.take_along_axis(errors, perm, axis=1)
    fg_sorted = jnp.take_along_axis(fg, perm, axis=1)
    gts = jnp.sum(fg_sorted, axis=1, keepdims=True)
    intersection = gts - jnp.cumsum(fg_sorted, axis=1)
    union = gts + jnp.cumsum(1.0 - fg_sorted, axis=1)
    jaccard = 1.0 - intersection / union
    grad = jnp.concatenate([jaccard[:, :1], jaccard[:, 1:] - jaccard[:, :-1]], axis=1)
    loss_per_class = jnp.sum(errors_sorted * grad, axis=1)  # [C]
    # classes='present': only average over classes present in labels
    present = (gts[:, 0] > 0).astype(jnp.float32)
    return jnp.sum(loss_per_class * present) / jnp.maximum(jnp.sum(present), 1.0)

def reference(logits, labels):
    probas = jax.nn.softmax(logits, axis=1)
    return _lovasz_softmax(probas, labels)

if __name__ == "__main__":
    import jax
    _d = setup_inputs()
    print(jax.jit(kernel)(*tuple(_d.values())))

</pallas_src>

<mosaic_0001>
#map = affine_map<(d0, d1) -> (0, 0, 0)>
#map1 = affine_map<(d0, d1) -> (0)>
module attributes {stable_mosaic.version = 14 : i64} {
  func.func @_sc_hist_body(%arg0: i32, %arg1: i32, %arg2: memref<21x4096x128xi32, #tpu.memory_space<hbm>>, %arg3: memref<1376256xf32, #tpu.memory_space<hbm>>, %arg4: memref<16384xf32, #tpu.memory_space<vmem>>, %arg5: memref<2x64x128xi32, #tpu.memory_space<vmem>>, %arg6: memref<!tpu.dma_semaphore, #tpu.memory_space<semaphore_mem>>, %arg7: memref<!tpu.dma_semaphore, #tpu.memory_space<semaphore_mem>>) attributes {dimension_semantics = [#tpu.dimension_semantics<core_parallel>, #tpu.dimension_semantics<subcore_parallel>], iteration_bounds = array<i64: 2, 16>, scalar_prefetch = 0 : i64, scratch_operands = 4 : i64, tpu.core_type = #tpu.core_type<sc_vector_subcore>, window_params = [{transform_indices = #map}, {transform_indices = #map1}]} {
    %mul3A = arith.constant 2 : i32
    %mul3A_0 = arith.muli %arg1, %mul3A : i32
    %add3A = arith.addi %mul3A_0, %arg0 : i32
    %add3A_1 = arith.constant 0 : i32
    %add3A_2 = arith.addi %add3A, %add3A_1 : i32
    %lt3A = arith.constant 84 : i32
    %lt3A_3 = arith.cmpi slt, %add3A_2, %lt3A : i32
    %convert_element_type3A = arith.extui %lt3A_3 : i1 to i32
    %cond3A = arith.constant 0 : i32
    %cond3A_4 = arith.cmpi ne, %convert_element_type3A, %cond3A : i32
    scf.if %cond3A_4 {
      %jit3A = arith.constant 4 : i32
      %div3A = arith.divsi %add3A_2, %jit3A : i32
      %sign3A = arith.constant 0 : i32
      %sign3A_19 = arith.cmpi sgt, %add3A_2, %sign3A : i32
      %sign3A_20 = arith.extui %sign3A_19 : i1 to i32
      %sign3A_21 = arith.constant 0 : i32
      %sign3A_22 = arith.cmpi slt, %add3A_2, %sign3A_21 : i32
      %sign3A_23 = arith.extui %sign3A_22 : i1 to i32
      %sign3A_24 = arith.subi %sign3A_20, %sign3A_23 : i32
      %sign3A_25 = arith.constant 0 : i32
      %sign3A_26 = arith.cmpi sgt, %jit3A, %sign3A_25 : i32
      %sign3A_27 = arith.extui %sign3A_26 : i1 to i32
      %sign3A_28 = arith.constant 0 : i32
      %sign3A_29 = arith.cmpi slt, %jit3A, %sign3A_28 : i32
      %sign3A_30 = arith.extui %sign3A_29 : i1 to i32
      %sign3A_31 = arith.subi %sign3A_27, %sign3A_30 : i32
      %ne3A = arith.cmpi ne, %sign3A_24, %sign3A_31 : i32
      %rem3A = arith.remsi %add3A_2, %jit3A : i32
      %ne3A_32 = arith.constant 0 : i32
      %ne3A_33 = arith.cmpi ne, %rem3A, %ne3A_32 : i32
      %and3A = arith.andi %ne3A, %ne3A_33 : i1
      %sub3A = arith.constant 1 : i32
      %sub3A_34 = arith.subi %div3A, %sub3A : i32
      %select_n3A = arith.select %and3A, %sub3A_34, %div3A : i32
      %jit3A_35 = arith.constant 4 : i32
      %eq3A = arith.constant 0 : i32
      %eq3A_36 = arith.cmpi eq, %jit3A_35, %eq3A : i32
      %jit3A_37 = arith.constant 1 : i32
      %select_n3A_38 = arith.select %eq3A_36, %jit3A_37, %jit3A_35 : i32
      %rem3A_39 = arith.remsi %add3A_2, %select_n3A_38 : i32
      %ne3A_40 = arith.constant 0 : i32
      %ne3A_41 = arith.cmpi ne, %rem3A_39, %ne3A_40 : i32
      %lt3A_42 = arith.constant 0 : i32
      %lt3A_43 = arith.cmpi slt, %rem3A_39, %lt3A_42 : i32
      %lt3A_44 = arith.constant 0 : i32
      %lt3A_45 = arith.cmpi slt, %select_n3A_38, %lt3A_44 : i32
      %ne3A_46 = arith.xori %lt3A_43, %lt3A_45 : i1
      %and3A_47 = arith.andi %ne3A_46, %ne3A_41 : i1
      %add3A_48 = arith.addi %rem3A_39, %select_n3A_38 : i32
      %select_n3A_49 = arith.select %and3A_47, %add3A_48, %rem3A_39 : i32
      %mul3A_50 = arith.constant 1024 : i32
      %mul3A_51 = arith.muli %select_n3A_49, %mul3A_50 : i32
      %dma_start3A = arith.constant 0 : i32
      %dma_start3A_52 = arith.constant 0 : i32
      %dma_start3A_53 = arith.constant 0 : i32
      %dma_start3A_54 = tpu.memref_slice %arg5[%dma_start3A, %dma_start3A_52, %dma_start3A_53] : memref<2x64x128xi32, #tpu.memory_space<vmem>> -> memref<1x64x128xi32, #tpu.memory_space<vmem>>
      %dma_start3A_55 = tpu.memref_squeeze %dma_start3A_54 : memref<1x64x128xi32, #tpu.memory_space<vmem>> -> memref<64x128xi32, #tpu.memory_space<vmem>>
      %dma_start3A_56 = arith.constant 0 : i32
      %dma_start3A_57 = tpu.memref_slice %arg2[%select_n3A, %mul3A_51, %dma_start3A_56] : memref<21x4096x128xi32, #tpu.memory_space<hbm>> -> memref<1x64x128xi32, #tpu.memory_space<hbm>>
      %dma_start3A_58 = tpu.memref_squeeze %dma_start3A_57 : memref<1x64x128xi32, #tpu.memory_space<hbm>> -> memref<64x128xi32, #tpu.memory_space<hbm>>
      %dma_start3A_59 = arith.constant 0 : i32
      %dma_start3A_60 = arith.constant 0 : i32
      %dma_start3A_61 = tpu.memref_slice %arg5[%dma_start3A, %dma_start3A_59, %dma_start3A_60] : memref<2x64x128xi32, #tpu.memory_space<vmem>> -> memref<1x64x128xi32, #tpu.memory_space<vmem>>
      %dma_start3A_62 = tpu.memref_squeeze %dma_start3A_61 : memref<1x64x128xi32, #tpu.memory_space<vmem>> -> memref<64x128xi32, #tpu.memory_space<vmem>>
      %dma_start3A_63 = arith.constant 0 : i32
      %dma_start3A_64 = tpu.memref_slice %arg2[%select_n3A, %mul3A_51, %dma_start3A_63] : memref<21x4096x128xi32, #tpu.memory_space<hbm>> -> memref<1x64x128xi32, #tpu.memory_space<hbm>>
      %dma_start3A_65 = tpu.memref_squeeze %dma_start3A_64 : memref<1x64x128xi32, #tpu.memory_space<hbm>> -> memref<64x128xi32, #tpu.memory_space<hbm>>
      tpu.enqueue_dma source(%dma_start3A_65 : memref<64x128xi32, #tpu.memory_space<hbm>>) target(%dma_start3A_62 : memref<64x128xi32, #tpu.memory_space<vmem>>) target_semaphore(%arg6 : memref<!tpu.dma_semaphore, #tpu.memory_space<semaphore_mem>>)
      %parallel_loop3A = arith.constant 0 : i32
      %parallel_loop3A_66 = arith.constant 1024 : i32
      %parallel_loop3A_67 = arith.constant 1 : i32
      scf.for %parallel_loop3A_78 = %parallel_loop3A to %parallel_loop3A_66 step %parallel_loop3A_67  : i32 {
        %parallel_loop3A_79 = arith.constant 0.000000e+00 : f32
        %parallel_loop3A_80 = vector.broadcast %parallel_loop3A_79 : f32 to vector<16xf32>
        %parallel_loop3A_81 = arith.constant 16 : i32
        %parallel_loop3A_82 = arith.muli %parallel_loop3A_78, %parallel_loop3A_81 : i32
        %parallel_loop3A_83 = arith.index_cast %parallel_loop3A_82 : i32 to index
        %parallel_loop3A_84 = tpu.vector_load %arg4[%parallel_loop3A_83] {strides = array<i32>} : memref<16384xf32, #tpu.memory_space<vmem>>, vector<16xf32>,
        tpu.vector_store %arg4[%parallel_loop3A_83], %parallel_loop3A_80 {strides = array<i32>} : memref<16384xf32, #tpu.memory_space<vmem>>, vector<16xf32>,
      } {sc.loop_unroll_factor = 8 : i64, sc.parallel_access}
      %broadcast_in_dim3A = arith.constant 1.000000e+00 : f32
      %broadcast_in_dim3A_68 = vector.broadcast %broadcast_in_dim3A : f32 to vector<16xf32>
      %scan3A = arith.constant 0 : i32
      %scan3A_69 = arith.constant 0 : i32
      %scan3A_70 = arith.constant 8 : i32
      %scan3A_71 = arith.addi %scan3A_69, %scan3A_70 : i32
      %scan3A_72 = arith.constant 1 : i32
      scf.for %scan3A_78 = %scan3A_69 to %scan3A_71 step %scan3A_72  : i32 {
        %mul3A_79 = arith.constant 2 : i32
        %mul3A_80 = arith.muli %scan3A_78, %mul3A_79 : i32
        %add3A_81 = arith.constant 0 : i32
        %add3A_82 = arith.addi %mul3A_80, %add3A_81 : i32
        %add3A_83 = arith.constant 1 : i32
        %add3A_84 = arith.addi %add3A_82, %add3A_83 : i32
        %lt3A_85 = arith.constant 16 : i32
        %lt3A_86 = arith.cmpi slt, %add3A_84, %lt3A_85 : i32
        %convert_element_type3A_87 = arith.extui %lt3A_86 : i1 to i32
        %cond3A_88 = arith.constant 0 : i32
        %cond3A_89 = arith.cmpi ne, %convert_element_type3A_87, %cond3A_88 : i32
        scf.if %cond3A_89 {
          %add3A_138 = arith.constant 1 : i32
          %add3A_139 = arith.addi %add3A_82, %add3A_138 : i32
          %mul3A_140 = arith.constant 64 : i32
          %mul3A_141 = arith.muli %add3A_139, %mul3A_140 : i32
          %add3A_142 = arith.addi %mul3A_51, %mul3A_141 : i32
          %dma_start3A_143 = arith.constant 1 : i32
          %dma_start3A_144 = arith.constant 0 : i32
          %dma_start3A_145 = arith.constant 0 : i32
          %dma_start3A_146 = tpu.memref_slice %arg5[%dma_start3A_143, %dma_start3A_144, %dma_start3A_145] : memref<2x64x128xi32, #tpu.memory_space<vmem>> -> memref<1x64x128xi32, #tpu.memory_space<vmem>>
          %dma_start3A_147 = tpu.memref_squeeze %dma_start3A_146 : memref<1x64x128xi32, #tpu.memory_space<vmem>> -> memref<64x128xi32, #tpu.memory_space<vmem>>
          %dma_start3A_148 = arith.constant 0 : i32
          %dma_start3A_149 = tpu.memref_slice %arg2[%select_n3A, %add3A_142, %dma_start3A_148] : memref<21x4096x128xi32, #tpu.memory_space<hbm>> -> memref<1x64x128xi32, #tpu.memory_space<hbm>>
          %dma_start3A_150 = tpu.memref_squeeze %dma_start3A_149 : memref<1x64x128xi32, #tpu.memory_space<hbm>> -> memref<64x128xi32, #tpu.memory_space<hbm>>
          %dma_start3A_151 = arith.constant 0 : i32
          %dma_start3A_152 = arith.constant 0 : i32
          %dma_start3A_153 = tpu.memref_slice %arg5[%dma_start3A_143, %dma_start3A_151, %dma_start3A_152] : memref<2x64x128xi32, #tpu.memory_space<vmem>> -> memref<1x64x128xi32, #tpu.memory_space<vmem>>
          %dma_start3A_154 = tpu.memref_squeeze %dma_start3A_153 : memref<1x64x128xi32, #tpu.memory_space<vmem>> -> memref<64x128xi32, #tpu.memory_space<vmem>>
          %dma_start3A_155 = arith.constant 0 : i32
          %dma_start3A_156 = tpu.memref_slice %arg2[%select_n3A, %add3A_142, %dma_start3A_155] : memref<21x4096x128xi32, #tpu.memory_space<hbm>> -> memref<1x64x128xi32, #tpu.memory_space<hbm>>
          %dma_start3A_157 = tpu.memref_squeeze %dma_start3A_156 : memref<1x64x128xi32, #tpu.memory_space<hbm>> -> memref<64x128xi32, #tpu.memory_space<hbm>>
          tpu.enqueue_dma source(%dma_start3A_157 : memref<64x128xi32, #tpu.memory_space<hbm>>) target(%dma_start3A_154 : memref<64x128xi32, #tpu.memory_space<vmem>>) target_semaphore(%arg7 : memref<!tpu.dma_semaphore, #tpu.memory_space<semaphore_mem>>)
        } else {
        }
        %dma_wait3A = arith.constant 0 : i32
        %dma_wait3A_90 = arith.constant 0 : i32
        %dma_wait3A_91 = arith.constant 0 : i32
        %dma_wait3A_92 = tpu.memref_slice %arg5[%dma_wait3A, %dma_wait3A_90, %dma_wait3A_91] : memref<2x64x128xi32, #tpu.memory_space<vmem>> -> memref<1x64x128xi32, #tpu.memory_space<vmem>>
        %dma_wait3A_93 = tpu.memref_squeeze %dma_wait3A_92 : memref<1x64x128xi32, #tpu.memory_space<vmem>> -> memref<64x128xi32, #tpu.memory_space<vmem>>
        %dma_wait3A_94 = arith.constant 0 : i32
        %dma_wait3A_95 = arith.constant 0 : i32
        %dma_wait3A_96 = tpu.memref_slice %arg2[%select_n3A, %dma_wait3A_94, %dma_wait3A_95] : memref<21x4096x128xi32, #tpu.memory_space<hbm>> -> memref<1x64x128xi32, #tpu.memory_space<hbm>>
        %dma_wait3A_97 = tpu.memref_squeeze %dma_wait3A_96 : memref<1x64x128xi32, #tpu.memory_space<hbm>> -> memref<64x128xi32, #tpu.memory_space<hbm>>
        %dma_wait3A_98 = arith.constant 0 : i32
        %dma_wait3A_99 = arith.constant 0 : i32
        %dma_wait3A_100 = tpu.memref_slice %arg5[%dma_wait3A, %dma_wait3A_98, %dma_wait3A_99] : memref<2x64x128xi32, #tpu.memory_space<vmem>> -> memref<1x64x128xi32, #tpu.memory_space<vmem>>
        %dma_wait3A_101 = tpu.memref_squeeze %dma_wait3A_100 : memref<1x64x128xi32, #tpu.memory_space<vmem>> -> memref<64x128xi32, #tpu.memory_space<vmem>>
        %dma_wait3A_102 = arith.constant 0 : i32
        %dma_wait3A_103 = arith.constant 0 : i32
        %dma_wait3A_104 = tpu.memref_slice %arg2[%select_n3A, %dma_wait3A_102, %dma_wait3A_103] : memref<21x4096x128xi32, #tpu.memory_space<hbm>> -> memref<1x64x128xi32, #tpu.memory_space<hbm>>
        %dma_wait3A_105 = tpu.memref_squeeze %dma_wait3A_104 : memref<1x64x128xi32, #tpu.memory_space<hbm>> -> memref<64x128xi32, #tpu.memory_space<hbm>>
        tpu.wait_dma2 semaphore(%arg6 : memref<!tpu.dma_semaphore, #tpu.memory_space<semaphore_mem>>) src(%dma_wait3A_105 : memref<64x128xi32, #tpu.memory_space<hbm>>) dst(%dma_wait3A_101 : memref<64x128xi32, #tpu.memory_space<vmem>>)
        %parallel_loop3A_106 = arith.constant 0 : i32
        %parallel_loop3A_107 = arith.constant 64 : i32
        %parallel_loop3A_108 = arith.constant 1 : i32
        scf.for %parallel_loop3A_138 = %parallel_loop3A_106 to %parallel_loop3A_107 step %parallel_loop3A_108  : i32 {
          %parallel_loop3A_139 = arith.constant 0 : i32
          %parallel_loop3A_140 = arith.index_cast %parallel_loop3A_139 : i32 to index
          %parallel_loop3A_141 = arith.index_cast %parallel_loop3A_138 : i32 to index
          %parallel_loop3A_142 = arith.constant 0 : index
          %parallel_loop3A_143 = tpu.vector_load %arg5[%parallel_loop3A_140, %parallel_loop3A_141, %parallel_loop3A_142] {strides = array<i32>} : memref<2x64x128xi32, #tpu.memory_space<vmem>>, vector<16xi32>,
          tpu.vector_store_idx %arg4[%parallel_loop3A_143], %broadcast_in_dim3A_68 {add = true} : memref<16384xf32, #tpu.memory_space<vmem>>[vector<16xi32>], vector<16xf32>,
          %parallel_loop3A_144 = arith.constant 0 : i32
          %parallel_loop3A_145 = arith.index_cast %parallel_loop3A_144 : i32 to index
          %parallel_loop3A_146 = arith.index_cast %parallel_loop3A_138 : i32 to index
          %parallel_loop3A_147 = arith.constant 16 : index
          %parallel_loop3A_148 = tpu.vector_load %arg5[%parallel_loop3A_145, %parallel_loop3A_146, %parallel_loop3A_147] {strides = array<i32>} : memref<2x64x128xi32, #tpu.memory_space<vmem>>, vector<16xi32>,
          tpu.vector_store_idx %arg4[%parallel_loop3A_148], %broadcast_in_dim3A_68 {add = true} : memref<16384xf32, #tpu.memory_space<vmem>>[vector<16xi32>], vector<16xf32>,
          %parallel_loop3A_149 = arith.constant 0 : i32
          %parallel_loop3A_150 = arith.index_cast %parallel_loop3A_149 : i32 to index
          %parallel_loop3A_151 = arith.index_cast %parallel_loop3A_138 : i32 to index
          %parallel_loop3A_152 = arith.constant 32 : index
          %parallel_loop3A_153 = tpu.vector_load %arg5[%parallel_loop3A_150, %parallel_loop3A_151, %parallel_loop3A_152] {strides = array<i32>} : memref<2x64x128xi32, #tpu.memory_space<vmem>>, vector<16xi32>,
          tpu.vector_store_idx %arg4[%parallel_loop3A_153], %broadcast_in_dim3A_68 {add = true} : memref<16384xf32, #tpu.memory_space<vmem>>[vector<16xi32>], vector<16xf32>,
          %parallel_loop3A_154 = arith.constant 0 : i32
          %parallel_loop3A_155 = arith.index_cast %parallel_loop3A_154 : i32 to index
          %parallel_loop3A_156 = arith.index_cast %parallel_loop3A_138 : i32 to index
          %parallel_loop3A_157 = arith.constant 48 : index
          %parallel_loop3A_158 = tpu.vector_load %arg5[%parallel_loop3A_155, %parallel_loop3A_156, %parallel_loop3A_157] {strides = array<i32>} : memref<2x64x128xi32, #tpu.memory_space<vmem>>, vector<16xi32>,
          tpu.vector_store_idx %arg4[%parallel_loop3A_158], %broadcast_in_dim3A_68 {add = true} : memref<16384xf32, #tpu.memory_space<vmem>>[vector<16xi32>], vector<16xf32>,
          %parallel_loop3A_159 = arith.constant 0 : i32
          %parallel_loop3A_160 = arith.index_cast %parallel_loop3A_159 : i32 to index
          %parallel_loop3A_161 = arith.index_cast %parallel_loop3A_138 : i32 to index
          %parallel_loop3A_162 = arith.constant 64 : index
          %parallel_loop3A_163 = tpu.vector_load %arg5[%parallel_loop3A_160, %parallel_loop3A_161, %parallel_loop3A_162] {strides = array<i32>} : memref<2x64x128xi32, #tpu.memory_space<vmem>>, vector<16xi32>,
          tpu.vector_store_idx %arg4[%parallel_loop3A_163], %broadcast_in_dim3A_68 {add = true} : memref<16384xf32, #tpu.memory_space<vmem>>[vector<16xi32>], vector<16xf32>,
          %parallel_loop3A_164 = arith.constant 0 : i32
          %parallel_loop3A_165 = arith.index_cast %parallel_loop3A_164 : i32 to index
          %parallel_loop3A_166 = arith.index_cast %parallel_loop3A_138 : i32 to index
          %parallel_loop3A_167 = arith.constant 80 : index
          %parallel_loop3A_168 = tpu.vector_load %arg5[%parallel_loop3A_165, %parallel_loop3A_166, %parallel_loop3A_167] {strides = array<i32>} : memref<2x64x128xi32, #tpu.memory_space<vmem>>, vector<16xi32>,
          tpu.vector_store_idx %arg4[%parallel_loop3A_168], %broadcast_in_dim3A_68 {add = true} : memref<16384xf32, #tpu.memory_space<vmem>>[vector<16xi32>], vector<16xf32>,
          %parallel_loop3A_169 = arith.constant 0 : i32
          %parallel_loop3A_170 = arith.index_cast %parallel_loop3A_169 : i32 to index
          %parallel_loop3A_171 = arith.index_cast %parallel_loop3A_138 : i32 to index
          %parallel_loop3A_172 = arith.constant 96 : index
          %parallel_loop3A_173 = tpu.vector_load %arg5[%parallel_loop3A_170, %parallel_loop3A_171, %parallel_loop3A_172] {strides = array<i32>} : memref<2x64x128xi32, #tpu.memory_space<vmem>>, vector<16xi32>,
          tpu.vector_store_idx %arg4[%parallel_loop3A_173], %broadcast_in_dim3A_68 {add = true} : memref<16384xf32, #tpu.memory_space<vmem>>[vector<16xi32>], vector<16xf32>,
          %parallel_loop3A_174 = arith.constant 0 : i32
          %parallel_loop3A_175 = arith.index_cast %parallel_loop3A_174 : i32 to index
          %parallel_loop3A_176 = arith.index_cast %parallel_loop3A_138 : i32 to index
          %parallel_loop3A_177 = arith.constant 112 : index
          %parallel_loop3A_178 = tpu.vector_load %arg5[%parallel_loop3A_175, %parallel_loop3A_176, %parallel_loop3A_177] {strides = array<i32>} : memref<2x64x128xi32, #tpu.memory_space<vmem>>, vector<16xi32>,
          tpu.vector_store_idx %arg4[%parallel_loop3A_178], %broadcast_in_dim3A_68 {add = true} : memref<16384xf32, #tpu.memory_space<vmem>>[vector<16xi32>], vector<16xf32>,
        } {sc.loop_unroll_factor = 2 : i64, sc.parallel_access}
        %add3A_109 = arith.constant 1 : i32
        %add3A_110 = arith.addi %mul3A_80, %add3A_109 : i32
        %add3A_111 = arith.constant 1 : i32
        %add3A_112 = arith.addi %add3A_110, %add3A_111 : i32
        %lt3A_113 = arith.constant 16 : i32
        %lt3A_114 = arith.cmpi slt, %add3A_112, %lt3A_113 : i32
        %convert_element_type3A_115 = arith.extui %lt3A_114 : i1 to i32
        %cond3A_116 = arith.constant 0 : i32
        %cond3A_117 = arith.cmpi ne, %convert_element_type3A_115, %cond3A_116 : i32
        scf.if %cond3A_117 {
          %add3A_138 = arith.constant 1 : i32
          %add3A_139 = arith.addi %add3A_110, %add3A_138 : i32
          %mul3A_140 = arith.constant 64 : i32
          %mul3A_141 = arith.muli %add3A_139, %mul3A_140 : i32
          %add3A_142 = arith.addi %mul3A_51, %mul3A_141 : i32
          %dma_start3A_143 = arith.constant 0 : i32
          %dma_start3A_144 = arith.constant 0 : i32
          %dma_start3A_145 = arith.constant 0 : i32
          %dma_start3A_146 = tpu.memref_slice %arg5[%dma_start3A_143, %dma_start3A_144, %dma_start3A_145] : memref<2x64x128xi32, #tpu.memory_space<vmem>> -> memref<1x64x128xi32, #tpu.memory_space<vmem>>
          %dma_start3A_147 = tpu.memref_squeeze %dma_start3A_146 : memref<1x64x128xi32, #tpu.memory_space<vmem>> -> memref<64x128xi32, #tpu.memory_space<vmem>>
          %dma_start3A_148 = arith.constant 0 : i32
          %dma_start3A_149 = tpu.memref_slice %arg2[%select_n3A, %add3A_142, %dma_start3A_148] : memref<21x4096x128xi32, #tpu.memory_space<hbm>> -> memref<1x64x128xi32, #tpu.memory_space<hbm>>
          %dma_start3A_150 = tpu.memref_squeeze %dma_start3A_149 : memref<1x64x128xi32, #tpu.memory_space<hbm>> -> memref<64x128xi32, #tpu.memory_space<hbm>>
          %dma_start3A_151 = arith.constant 0 : i32
          %dma_start3A_152 = arith.constant 0 : i32
          %dma_start3A_153 = tpu.memref_slice %arg5[%dma_start3A_143, %dma_start3A_151, %dma_start3A_152] : memref<2x64x128xi32, #tpu.memory_space<vmem>> -> memref<1x64x128xi32, #tpu.memory_space<vmem>>
          %dma_start3A_154 = tpu.memref_squeeze %dma_start3A_153 : memref<1x64x128xi32, #tpu.memory_space<vmem>> -> memref<64x128xi32, #tpu.memory_space<vmem>>
          %dma_start3A_155 = arith.constant 0 : i32
          %dma_start3A_156 = tpu.memref_slice %arg2[%select_n3A, %add3A_142, %dma_start3A_155] : memref<21x4096x128xi32, #tpu.memory_space<hbm>> -> memref<1x64x128xi32, #tpu.memory_space<hbm>>
          %dma_start3A_157 = tpu.memref_squeeze %dma_start3A_156 : memref<1x64x128xi32, #tpu.memory_space<hbm>> -> memref<64x128xi32, #tpu.memory_space<hbm>>
          tpu.enqueue_dma source(%dma_start3A_157 : memref<64x128xi32, #tpu.memory_space<hbm>>) target(%dma_start3A_154 : memref<64x128xi32, #tpu.memory_space<vmem>>) target_semaphore(%arg6 : memref<!tpu.dma_semaphore, #tpu.memory_space<semaphore_mem>>)
        } else {
        }
        %dma_wait3A_118 = arith.constant 1 : i32
        %dma_wait3A_119 = arith.constant 0 : i32
        %dma_wait3A_120 = arith.constant 0 : i32
        %dma_wait3A_121 = tpu.memref_slice %arg5[%dma_wait3A_118, %dma_wait3A_119, %dma_wait3A_120] : memref<2x64x128xi32, #tpu.memory_space<vmem>> -> memref<1x64x128xi32, #tpu.memory_space<vmem>>
        %dma_wait3A_122 = tpu.memref_squeeze %dma_wait3A_121 : memref<1x64x128xi32, #tpu.memory_space<vmem>> -> memref<64x128xi32, #tpu.memory_space<vmem>>
        %dma_wait3A_123 = arith.constant 0 : i32
        %dma_wait3A_124 = arith.constant 0 : i32
        %dma_wait3A_125 = tpu.memref_slice %arg2[%select_n3A, %dma_wait3A_123, %dma_wait3A_124] : memref<21x4096x128xi32, #tpu.memory_space<hbm>> -> memref<1x64x128xi32, #tpu.memory_space<hbm>>
        %dma_wait3A_126 = tpu.memref_squeeze %dma_wait3A_125 : memref<1x64x128xi32, #tpu.memory_space<hbm>> -> memref<64x128xi32, #tpu.memory_space<hbm>>
        %dma_wait3A_127 = arith.constant 0 : i32
        %dma_wait3A_128 = arith.constant 0 : i32
        %dma_wait3A_129 = tpu.memref_slice %arg5[%dma_wait3A_118, %dma_wait3A_127, %dma_wait3A_128] : memref<2x64x128xi32, #tpu.memory_space<vmem>> -> memref<1x64x128xi32, #tpu.memory_space<vmem>>
        %dma_wait3A_130 = tpu.memref_squeeze %dma_wait3A_129 : memref<1x64x128xi32, #tpu.memory_space<vmem>> -> memref<64x128xi32, #tpu.memory_space<vmem>>
        %dma_wait3A_131 = arith.constant 0 : i32
        %dma_wait3A_132 = arith.constant 0 : i32
        %dma_wait3A_133 = tpu.memref_slice %arg2[%select_n3A, %dma_wait3A_131, %dma_wait3A_132] : memref<21x4096x128xi32, #tpu.memory_space<hbm>> -> memref<1x64x128xi32, #tpu.memory_space<hbm>>
        %dma_wait3A_134 = tpu.memref_squeeze %dma_wait3A_133 : memref<1x64x128xi32, #tpu.memory_space<hbm>> -> memref<64x128xi32, #tpu.memory_space<hbm>>
        tpu.wait_dma2 semaphore(%arg7 : memref<!tpu.dma_semaphore, #tpu.memory_space<semaphore_mem>>) src(%dma_wait3A_134 : memref<64x128xi32, #tpu.memory_space<hbm>>) dst(%dma_wait3A_130 : memref<64x128xi32, #tpu.memory_space<vmem>>)
        %parallel_loop3A_135 = arith.constant 0 : i32
        %parallel_loop3A_136 = arith.constant 64 : i32
        %parallel_loop3A_137 = arith.constant 1 : i32
        scf.for %parallel_loop3A_138 = %parallel_loop3A_135 to %parallel_loop3A_136 step %parallel_loop3A_137  : i32 {
          %parallel_loop3A_139 = arith.constant 1 : i32
          %parallel_loop3A_140 = arith.index_cast %parallel_loop3A_139 : i32 to index
          %parallel_loop3A_141 = arith.index_cast %parallel_loop3A_138 : i32 to index
          %parallel_loop3A_142 = arith.constant 0 : index
          %parallel_loop3A_143 = tpu.vector_load %arg5[%parallel_loop3A_140, %parallel_loop3A_141, %parallel_loop3A_142] {strides = array<i32>} : memref<2x64x128xi32, #tpu.memory_space<vmem>>, vector<16xi32>,
          tpu.vector_store_idx %arg4[%parallel_loop3A_143], %broadcast_in_dim3A_68 {add = true} : memref<16384xf32, #tpu.memory_space<vmem>>[vector<16xi32>], vector<16xf32>,
          %parallel_loop3A_144 = arith.constant 1 : i32
          %parallel_loop3A_145 = arith.index_cast %parallel_loop3A_144 : i32 to index
          %parallel_loop3A_146 = arith.index_cast %parallel_loop3A_138 : i32 to index
          %parallel_loop3A_147 = arith.constant 16 : index
          %parallel_loop3A_148 = tpu.vector_load %arg5[%parallel_loop3A_145, %parallel_loop3A_146, %parallel_loop3A_147] {strides = array<i32>} : memref<2x64x128xi32, #tpu.memory_space<vmem>>, vector<16xi32>,
          tpu.vector_store_idx %arg4[%parallel_loop3A_148], %broadcast_in_dim3A_68 {add = true} : memref<16384xf32, #tpu.memory_space<vmem>>[vector<16xi32>], vector<16xf32>,
          %parallel_loop3A_149 = arith.constant 1 : i32
          %parallel_loop3A_150 = arith.index_cast %parallel_loop3A_149 : i32 to index
          %parallel_loop3A_151 = arith.index_cast %parallel_loop3A_138 : i32 to index
          %parallel_loop3A_152 = arith.constant 32 : index
          %parallel_loop3A_153 = tpu.vector_load %arg5[%parallel_loop3A_150, %parallel_loop3A_151, %parallel_loop3A_152] {strides = array<i32>} : memref<2x64x128xi32, #tpu.memory_space<vmem>>, vector<16xi32>,
          tpu.vector_store_idx %arg4[%parallel_loop3A_153], %broadcast_in_dim3A_68 {add = true} : memref<16384xf32, #tpu.memory_space<vmem>>[vector<16xi32>], vector<16xf32>,
          %parallel_loop3A_154 = arith.constant 1 : i32
          %parallel_loop3A_155 = arith.index_cast %parallel_loop3A_154 : i32 to index
          %parallel_loop3A_156 = arith.index_cast %parallel_loop3A_138 : i32 to index
          %parallel_loop3A_157 = arith.constant 48 : index
          %parallel_loop3A_158 = tpu.vector_load %arg5[%parallel_loop3A_155, %parallel_loop3A_156, %parallel_loop3A_157] {strides = array<i32>} : memref<2x64x128xi32, #tpu.memory_space<vmem>>, vector<16xi32>,
          tpu.vector_store_idx %arg4[%parallel_loop3A_158], %broadcast_in_dim3A_68 {add = true} : memref<16384xf32, #tpu.memory_space<vmem>>[vector<16xi32>], vector<16xf32>,
          %parallel_loop3A_159 = arith.constant 1 : i32
          %parallel_loop3A_160 = arith.index_cast %parallel_loop3A_159 : i32 to index
          %parallel_loop3A_161 = arith.index_cast %parallel_loop3A_138 : i32 to index
          %parallel_loop3A_162 = arith.constant 64 : index
          %parallel_loop3A_163 = tpu.vector_load %arg5[%parallel_loop3A_160, %parallel_loop3A_161, %parallel_loop3A_162] {strides = array<i32>} : memref<2x64x128xi32, #tpu.memory_space<vmem>>, vector<16xi32>,
          tpu.vector_store_idx %arg4[%parallel_loop3A_163], %broadcast_in_dim3A_68 {add = true} : memref<16384xf32, #tpu.memory_space<vmem>>[vector<16xi32>], vector<16xf32>,
          %parallel_loop3A_164 = arith.constant 1 : i32
          %parallel_loop3A_165 = arith.index_cast %parallel_loop3A_164 : i32 to index
          %parallel_loop3A_166 = arith.index_cast %parallel_loop3A_138 : i32 to index
          %parallel_loop3A_167 = arith.constant 80 : index
          %parallel_loop3A_168 = tpu.vector_load %arg5[%parallel_loop3A_165, %parallel_loop3A_166, %parallel_loop3A_167] {strides = array<i32>} : memref<2x64x128xi32, #tpu.memory_space<vmem>>, vector<16xi32>,
          tpu.vector_store_idx %arg4[%parallel_loop3A_168], %broadcast_in_dim3A_68 {add = true} : memref<16384xf32, #tpu.memory_space<vmem>>[vector<16xi32>], vector<16xf32>,
          %parallel_loop3A_169 = arith.constant 1 : i32
          %parallel_loop3A_170 = arith.index_cast %parallel_loop3A_169 : i32 to index
          %parallel_loop3A_171 = arith.index_cast %parallel_loop3A_138 : i32 to index
          %parallel_loop3A_172 = arith.constant 96 : index
          %parallel_loop3A_173 = tpu.vector_load %arg5[%parallel_loop3A_170, %parallel_loop3A_171, %parallel_loop3A_172] {strides = array<i32>} : memref<2x64x128xi32, #tpu.memory_space<vmem>>, vector<16xi32>,
          tpu.vector_store_idx %arg4[%parallel_loop3A_173], %broadcast_in_dim3A_68 {add = true} : memref<16384xf32, #tpu.memory_space<vmem>>[vector<16xi32>], vector<16xf32>,
          %parallel_loop3A_174 = arith.constant 1 : i32
          %parallel_loop3A_175 = arith.index_cast %parallel_loop3A_174 : i32 to index
          %parallel_loop3A_176 = arith.index_cast %parallel_loop3A_138 : i32 to index
          %parallel_loop3A_177 = arith.constant 112 : index
          %parallel_loop3A_178 = tpu.vector_load %arg5[%parallel_loop3A_175, %parallel_loop3A_176, %parallel_loop3A_177] {strides = array<i32>} : memref<2x64x128xi32, #tpu.memory_space<vmem>>, vector<16xi32>,
          tpu.vector_store_idx %arg4[%parallel_loop3A_178], %broadcast_in_dim3A_68 {add = true} : memref<16384xf32, #tpu.memory_space<vmem>>[vector<16xi32>], vector<16xf32>,
        } {sc.loop_unroll_factor = 2 : i64, sc.parallel_access}
      }
      %scan3A_73 = arith.constant 8 : i32
      %mul3A_74 = arith.constant 2 : i32
      %mul3A_75 = arith.muli %add3A_2, %mul3A_74 : i32
      %mul3A_76 = arith.constant 8192 : i32
      %mul3A_77 = arith.muli %mul3A_75, %mul3A_76 : i32
      "tpu.region"() ({
        %run_scoped3A = tpu.sem_alloc : memref<!tpu.dma_semaphore, #tpu.memory_space<semaphore_mem>>
        %dma_start3A_78 = tpu.memref_slice %arg3[%mul3A_77] : memref<1376256xf32, #tpu.memory_space<hbm>> -> memref<16384xf32, #tpu.memory_space<hbm>>
        %dma_start3A_79 = tpu.memref_slice %arg3[%mul3A_77] : memref<1376256xf32, #tpu.memory_space<hbm>> -> memref<16384xf32, #tpu.memory_space<hbm>>
        tpu.enqueue_dma source(%arg4 : memref<16384xf32, #tpu.memory_space<vmem>>) target(%dma_start3A_79 : memref<16384xf32, #tpu.memory_space<hbm>>) target_semaphore(%run_scoped3A : memref<!tpu.dma_semaphore, #tpu.memory_space<semaphore_mem>>)
        %dma_wait3A = tpu.memref_slice %arg3[%mul3A_77] : memref<1376256xf32, #tpu.memory_space<hbm>> -> memref<16384xf32, #tpu.memory_space<hbm>>
        %dma_wait3A_80 = tpu.memref_slice %arg3[%mul3A_77] : memref<1376256xf32, #tpu.memory_space<hbm>> -> memref<16384xf32, #tpu.memory_space<hbm>>
        tpu.wait_dma2 semaphore(%run_scoped3A : memref<!tpu.dma_semaphore, #tpu.memory_space<semaphore_mem>>) src(%arg4 : memref<16384xf32, #tpu.memory_space<vmem>>) dst(%dma_wait3A_80 : memref<16384xf32, #tpu.memory_space<hbm>>)
        tpu.yield
      }) : () -> ()
    } else {
    }
    %add3A_5 = arith.constant 32 : i32
    %add3A_6 = arith.addi %add3A, %add3A_5 : i32
    %lt3A_7 = arith.constant 84 : i32
    %lt3A_8 = arith.cmpi slt, %add3A_6, %lt3A_7 : i32
    %convert_element_type3A_9 = arith.extui %lt3A_8 : i1 to i32
    %cond3A_10 = arith.constant 0 : i32
    %cond3A_11 = arith.cmpi ne, %convert_element_type3A_9, %cond3A_10 : i32
    scf.if %cond3A_11 {
      %jit3A = arith.constant 4 : i32
      %div3A = arith.divsi %add3A_6, %jit3A : i32
      %sign3A = arith.constant 0 : i32
      %sign3A_19 = arith.cmpi sgt, %add3A_6, %sign3A : i32
      %sign3A_20 = arith.extui %sign3A_19 : i1 to i32
      %sign3A_21 = arith.constant 0 : i32
      %sign3A_22 = arith.cmpi slt, %add3A_6, %sign3A_21 : i32
      %sign3A_23 = arith.extui %sign3A_22 : i1 to i32
      %sign3A_24 = arith.subi %sign3A_20, %sign3A_23 : i32
      %sign3A_25 = arith.constant 0 : i32
      %sign3A_26 = arith.cmpi sgt, %jit3A, %sign3A_25 : i32
      %sign3A_27 = arith.extui %sign3A_26 : i1 to i32
      %sign3A_28 = arith.constant 0 : i32
      %sign3A_29 = arith.cmpi slt, %jit3A, %sign3A_28 : i32
      %sign3A_30 = arith.extui %sign3A_29 : i1 to i32
      %sign3A_31 = arith.subi %sign3A_27, %sign3A_30 : i32
      %ne3A = arith.cmpi ne, %sign3A_24, %sign3A_31 : i32
      %rem3A = arith.remsi %add3A_6, %jit3A : i32
      %ne3A_32 = arith.constant 0 : i32
      %ne3A_33 = arith.cmpi ne, %rem3A, %ne3A_32 : i32
      %and3A = arith.andi %ne3A, %ne3A_33 : i1
      %sub3A = arith.constant 1 : i32
      %sub3A_34 = arith.subi %div3A, %sub3A : i32
      %select_n3A = arith.select %and3A, %sub3A_34, %div3A : i32
      %jit3A_35 = arith.constant 4 : i32
      %eq3A = arith.constant 0 : i32
      %eq3A_36 = arith.cmpi eq, %jit3A_35, %eq3A : i32
      %jit3A_37 = arith.constant 1 : i32
      %select_n3A_38 = arith.select %eq3A_36, %jit3A_37, %jit3A_35 : i32
      %rem3A_39 = arith.remsi %add3A_6, %select_n3A_38 : i32
      %ne3A_40 = arith.constant 0 : i32
      %ne3A_41 = arith.cmpi ne, %rem3A_39, %ne3A_40 : i32
      %lt3A_42 = arith.constant 0 : i32
      %lt3A_43 = arith.cmpi slt, %rem3A_39, %lt3A_42 : i32
      %lt3A_44 = arith.constant 0 : i32
      %lt3A_45 = arith.cmpi slt, %select_n3A_38, %lt3A_44 : i32
      %ne3A_46 = arith.xori %lt3A_43, %lt3A_45 : i1
      %and3A_47 = arith.andi %ne3A_46, %ne3A_41 : i1
      %add3A_48 = arith.addi %rem3A_39, %select_n3A_38 : i32
      %select_n3A_49 = arith.select %and3A_47, %add3A_48, %rem3A_39 : i32
      %mul3A_50 = arith.constant 1024 : i32
      %mul3A_51 = arith.muli %select_n3A_49, %mul3A_50 : i32
      %dma_start3A = arith.constant 0 : i32
      %dma_start3A_52 = arith.constant 0 : i32
      %dma_start3A_53 = arith.constant 0 : i32
      %dma_start3A_54 = tpu.memref_slice %arg5[%dma_start3A, %dma_start3A_52, %dma_start3A_53] : memref<2x64x128xi32, #tpu.memory_space<vmem>> -> memref<1x64x128xi32, #tpu.memory_space<vmem>>
      %dma_start3A_55 = tpu.memref_squeeze %dma_start3A_54 : memref<1x64x128xi32, #tpu.memory_space<vmem>> -> memref<64x128xi32, #tpu.memory_space<vmem>>
      %dma_start3A_56 = arith.constant 0 : i32
      %dma_start3A_57 = tpu.memref_slice %arg2[%select_n3A, %mul3A_51, %dma_start3A_56] : memref<21x4096x128xi32, #tpu.memory_space<hbm>> -> memref<1x64x128xi32, #tpu.memory_space<hbm>>
      %dma_start3A_58 = tpu.memref_squeeze %dma_start3A_57 : memref<1x64x128xi32, #tpu.memory_space<hbm>> -> memref<64x128xi32, #tpu.memory_space<hbm>>
      %dma_start3A_59 = arith.constant 0 : i32
      %dma_start3A_60 = arith.constant 0 : i32
      %dma_start3A_61 = tpu.memref_slice %arg5[%dma_start3A, %dma_start3A_59, %dma_start3A_60] : memref<2x64x128xi32, #tpu.memory_space<vmem>> -> memref<1x64x128xi32, #tpu.memory_space<vmem>>
      %dma_start3A_62 = tpu.memref_squeeze %dma_start3A_61 : memref<1x64x128xi32, #tpu.memory_space<vmem>> -> memref<64x128xi32, #tpu.memory_space<vmem>>
      %dma_start3A_63 = arith.constant 0 : i32
      %dma_start3A_64 = tpu.memref_slice %arg2[%select_n3A, %mul3A_51, %dma_start3A_63] : memref<21x4096x128xi32, #tpu.memory_space<hbm>> -> memref<1x64x128xi32, #tpu.memory_space<hbm>>
      %dma_start3A_65 = tpu.memref_squeeze %dma_start3A_64 : memref<1x64x128xi32, #tpu.memory_space<hbm>> -> memref<64x128xi32, #tpu.memory_space<hbm>>
      tpu.enqueue_dma source(%dma_start3A_65 : memref<64x128xi32, #tpu.memory_space<hbm>>) target(%dma_start3A_62 : memref<64x128xi32, #tpu.memory_space<vmem>>) target_semaphore(%arg6 : memref<!tpu.dma_semaphore, #tpu.memory_space<semaphore_mem>>)
      %parallel_loop3A = arith.constant 0 : i32
      %parallel_loop3A_66 = arith.constant 1024 : i32
      %parallel_loop3A_67 = arith.constant 1 : i32
      scf.for %parallel_loop3A_78 = %parallel_loop3A to %parallel_loop3A_66 step %parallel_loop3A_67  : i32 {
        %parallel_loop3A_79 = arith.constant 0.000000e+00 : f32
        %parallel_loop3A_80 = vector.broadcast %parallel_loop3A_79 : f32 to vector<16xf32>
        %parallel_loop3A_81 = arith.constant 16 : i32
        %parallel_loop3A_82 = arith.muli %parallel_loop3A_78, %parallel_loop3A_81 : i32
        %parallel_loop3A_83 = arith.index_cast %parallel_loop3A_82 : i32 to index
        %parallel_loop3A_84 = tpu.vector_load %arg4[%parallel_loop3A_83] {strides = array<i32>} : memref<16384xf32, #tpu.memory_space<vmem>>, vector<16xf32>,
        tpu.vector_store %arg4[%parallel_loop3A_83], %parallel_loop3A_80 {strides = array<i32>} : memref<16384xf32, #tpu.memory_space<vmem>>, vector<16xf32>,
      } {sc.loop_unroll_factor = 8 : i64, sc.parallel_access}
      %broadcast_in_dim3A = arith.constant 1.000000e+00 : f32
      %broadcast_in_dim3A_68 = vector.broadcast %broadcast_in_dim3A : f32 to vector<16xf32>
      %scan3A = arith.constant 0 : i32
      %scan3A_69 = arith.constant 0 : i32
      %scan3A_70 = arith.constant 8 : i32
      %scan3A_71 = arith.addi %scan3A_69, %scan3A_70 : i32
      %scan3A_72 = arith.constant 1 : i32
      scf.for %scan3A_78 = %scan3A_69 to %scan3A_71 step %scan3A_72  : i32 {
        %mul3A_79 = arith.constant 2 : i32
        %mul3A_80 = arith.muli %scan3A_78, %mul3A_79 : i32
        %add3A_81 = arith.constant 0 : i32
        %add3A_82 = arith.addi %mul3A_80, %add3A_81 : i32
        %add3A_83 = arith.constant 1 : i32
        %add3A_84 = arith.addi %add3A_82, %add3A_83 : i32
        %lt3A_85 = arith.constant 16 : i32
        %lt3A_86 = arith.cmpi slt, %add3A_84, %lt3A_85 : i32
        %convert_element_type3A_87 = arith.extui %lt3A_86 : i1 to i32
        %cond3A_88 = arith.constant 0 : i32
        %cond3A_89 = arith.cmpi ne, %convert_element_type3A_87, %cond3A_88 : i32
        scf.if %cond3A_89 {
          %add3A_138 = arith.constant 1 : i32
          %add3A_139 = arith.addi %add3A_82, %add3A_138 : i32
          %mul3A_140 = arith.constant 64 : i32
          %mul3A_141 = arith.muli %add3A_139, %mul3A_140 : i32
          %add3A_142 = arith.addi %mul3A_51, %mul3A_141 : i32
          %dma_start3A_143 = arith.constant 1 : i32
          %dma_start3A_144 = arith.constant 0 : i32
          %dma_start3A_145 = arith.constant 0 : i32
          %dma_start3A_146 = tpu.memref_slice %arg5[%dma_start3A_143, %dma_start3A_144, %dma_start3A_145] : memref<2x64x128xi32, #tpu.memory_space<vmem>> -> memref<1x64x128xi32, #tpu.memory_space<vmem>>
          %dma_start3A_147 = tpu.memref_squeeze %dma_start3A_146 : memref<1x64x128xi32, #tpu.memory_space<vmem>> -> memref<64x128xi32, #tpu.memory_space<vmem>>
          %dma_start3A_148 = arith.constant 0 : i32
          %dma_start3A_149 = tpu.memref_slice %arg2[%select_n3A, %add3A_142, %dma_start3A_148] : memref<21x4096x128xi32, #tpu.memory_space<hbm>> -> memref<1x64x128xi32, #tpu.memory_space<hbm>>
          %dma_start3A_150 = tpu.memref_squeeze %dma_start3A_149 : memref<1x64x128xi32, #tpu.memory_space<hbm>> -> memref<64x128xi32, #tpu.memory_space<hbm>>
          %dma_start3A_151 = arith.constant 0 : i32
          %dma_start3A_152 = arith.constant 0 : i32
          %dma_start3A_153 = tpu.memref_slice %arg5[%dma_start3A_143, %dma_start3A_151, %dma_start3A_152] : memref<2x64x128xi32, #tpu.memory_space<vmem>> -> memref<1x64x128xi32, #tpu.memory_space<vmem>>
          %dma_start3A_154 = tpu.memref_squeeze %dma_start3A_153 : memref<1x64x128xi32, #tpu.memory_space<vmem>> -> memref<64x128xi32, #tpu.memory_space<vmem>>
          %dma_start3A_155 = arith.constant 0 : i32
          %dma_start3A_156 = tpu.memref_slice %arg2[%select_n3A, %add3A_142, %dma_start3A_155] : memref<21x4096x128xi32, #tpu.memory_space<hbm>> -> memref<1x64x128xi32, #tpu.memory_space<hbm>>
          %dma_start3A_157 = tpu.memref_squeeze %dma_start3A_156 : memref<1x64x128xi32, #tpu.memory_space<hbm>> -> memref<64x128xi32, #tpu.memory_space<hbm>>
          tpu.enqueue_dma source(%dma_start3A_157 : memref<64x128xi32, #tpu.memory_space<hbm>>) target(%dma_start3A_154 : memref<64x128xi32, #tpu.memory_space<vmem>>) target_semaphore(%arg7 : memref<!tpu.dma_semaphore, #tpu.memory_space<semaphore_mem>>)
        } else {
        }
        %dma_wait3A = arith.constant 0 : i32
        %dma_wait3A_90 = arith.constant 0 : i32
        %dma_wait3A_91 = arith.constant 0 : i32
        %dma_wait3A_92 = tpu.memref_slice %arg5[%dma_wait3A, %dma_wait3A_90, %dma_wait3A_91] : memref<2x64x128xi32, #tpu.memory_space<vmem>> -> memref<1x64x128xi32, #tpu.memory_space<vmem>>
        %dma_wait3A_93 = tpu.memref_squeeze %dma_wait3A_92 : memref<1x64x128xi32, #tpu.memory_space<vmem>> -> memref<64x128xi32, #tpu.memory_space<vmem>>
        %dma_wait3A_94 = arith.constant 0 : i32
        %dma_wait3A_95 = arith.constant 0 : i32
        %dma_wait3A_96 = tpu.memref_slice %arg2[%select_n3A, %dma_wait3A_94, %dma_wait3A_95] : memref<21x4096x128xi32, #tpu.memory_space<hbm>> -> memref<1x64x128xi32, #tpu.memory_space<hbm>>
        %dma_wait3A_97 = tpu.memref_squeeze %dma_wait3A_96 : memref<1x64x128xi32, #tpu.memory_space<hbm>> -> memref<64x128xi32, #tpu.memory_space<hbm>>
        %dma_wait3A_98 = arith.constant 0 : i32
        %dma_wait3A_99 = arith.constant 0 : i32
        %dma_wait3A_100 = tpu.memref_slice %arg5[%dma_wait3A, %dma_wait3A_98, %dma_wait3A_99] : memref<2x64x128xi32, #tpu.memory_space<vmem>> -> memref<1x64x128xi32, #tpu.memory_space<vmem>>
        %dma_wait3A_101 = tpu.memref_squeeze %dma_wait3A_100 : memref<1x64x128xi32, #tpu.memory_space<vmem>> -> memref<64x128xi32, #tpu.memory_space<vmem>>
        %dma_wait3A_102 = arith.constant 0 : i32
        %dma_wait3A_103 = arith.constant 0 : i32
        %dma_wait3A_104 = tpu.memref_slice %arg2[%select_n3A, %dma_wait3A_102, %dma_wait3A_103] : memref<21x4096x128xi32, #tpu.memory_space<hbm>> -> memref<1x64x128xi32, #tpu.memory_space<hbm>>
        %dma_wait3A_105 = tpu.memref_squeeze %dma_wait3A_104 : memref<1x64x128xi32, #tpu.memory_space<hbm>> -> memref<64x128xi32, #tpu.memory_space<hbm>>
        tpu.wait_dma2 semaphore(%arg6 : memref<!tpu.dma_semaphore, #tpu.memory_space<semaphore_mem>>) src(%dma_wait3A_105 : memref<64x128xi32, #tpu.memory_space<hbm>>) dst(%dma_wait3A_101 : memref<64x128xi32, #tpu.memory_space<vmem>>)
        %parallel_loop3A_106 = arith.constant 0 : i32
        %parallel_loop3A_107 = arith.constant 64 : i32
        %parallel_loop3A_108 = arith.constant 1 : i32
        scf.for %parallel_loop3A_138 = %parallel_loop3A_106 to %parallel_loop3A_107 step %parallel_loop3A_108  : i32 {
          %parallel_loop3A_139 = arith.constant 0 : i32
          %parallel_loop3A_140 = arith.index_cast %parallel_loop3A_139 : i32 to index
          %parallel_loop3A_141 = arith.index_cast %parallel_loop3A_138 : i32 to index
          %parallel_loop3A_142 = arith.constant 0 : index
          %parallel_loop3A_143 = tpu.vector_load %arg5[%parallel_loop3A_140, %parallel_loop3A_141, %parallel_loop3A_142] {strides = array<i32>} : memref<2x64x128xi32, #tpu.memory_space<vmem>>, vector<16xi32>,
          tpu.vector_store_idx %arg4[%parallel_loop3A_143], %broadcast_in_dim3A_68 {add = true} : memref<16384xf32, #tpu.memory_space<vmem>>[vector<16xi32>], vector<16xf32>,
          %parallel_loop3A_144 = arith.constant 0 : i32
          %parallel_loop3A_145 = arith.index_cast %parallel_loop3A_144 : i32 to index
          %parallel_loop3A_146 = arith.index_cast %parallel_loop3A_138 : i32 to index
          %parallel_loop3A_147 = arith.constant 16 : index
          %parallel_loop3A_148 = tpu.vector_load %arg5[%parallel_loop3A_145, %parallel_loop3A_146, %parallel_loop3A_147] {strides = array<i32>} : memref<2x64x128xi32, #tpu.memory_space<vmem>>, vector<16xi32>,
          tpu.vector_store_idx %arg4[%parallel_loop3A_148], %broadcast_in_dim3A_68 {add = true} : memref<16384xf32, #tpu.memory_space<vmem>>[vector<16xi32>], vector<16xf32>,
          %parallel_loop3A_149 = arith.constant 0 : i32
          %parallel_loop3A_150 = arith.index_cast %parallel_loop3A_149 : i32 to index
          %parallel_loop3A_151 = arith.index_cast %parallel_loop3A_138 : i32 to index
          %parallel_loop3A_152 = arith.constant 32 : index
          %parallel_loop3A_153 = tpu.vector_load %arg5[%parallel_loop3A_150, %parallel_loop3A_151, %parallel_loop3A_152] {strides = array<i32>} : memref<2x64x128xi32, #tpu.memory_space<vmem>>, vector<16xi32>,
          tpu.vector_store_idx %arg4[%parallel_loop3A_153], %broadcast_in_dim3A_68 {add = true} : memref<16384xf32, #tpu.memory_space<vmem>>[vector<16xi32>], vector<16xf32>,
          %parallel_loop3A_154 = arith.constant 0 : i32
          %parallel_loop3A_155 = arith.index_cast %parallel_loop3A_154 : i32 to index
          %parallel_loop3A_156 = arith.index_cast %parallel_loop3A_138 : i32 to index
          %parallel_loop3A_157 = arith.constant 48 : index
          %parallel_loop3A_158 = tpu.vector_load %arg5[%parallel_loop3A_155, %parallel_loop3A_156, %parallel_loop3A_157] {strides = array<i32>} : memref<2x64x128xi32, #tpu.memory_space<vmem>>, vector<16xi32>,
          tpu.vector_store_idx %arg4[%parallel_loop3A_158], %broadcast_in_dim3A_68 {add = true} : memref<16384xf32, #tpu.memory_space<vmem>>[vector<16xi32>], vector<16xf32>,
          %parallel_loop3A_159 = arith.constant 0 : i32
          %parallel_loop3A_160 = arith.index_cast %parallel_loop3A_159 : i32 to index
          %parallel_loop3A_161 = arith.index_cast %parallel_loop3A_138 : i32 to index
          %parallel_loop3A_162 = arith.constant 64 : index
          %parallel_loop3A_163 = tpu.vector_load %arg5[%parallel_loop3A_160, %parallel_loop3A_161, %parallel_loop3A_162] {strides = array<i32>} : memref<2x64x128xi32, #tpu.memory_space<vmem>>, vector<16xi32>,
          tpu.vector_store_idx %arg4[%parallel_loop3A_163], %broadcast_in_dim3A_68 {add = true} : memref<16384xf32, #tpu.memory_space<vmem>>[vector<16xi32>], vector<16xf32>,
          %parallel_loop3A_164 = arith.constant 0 : i32
          %parallel_loop3A_165 = arith.index_cast %parallel_loop3A_164 : i32 to index
          %parallel_loop3A_166 = arith.index_cast %parallel_loop3A_138 : i32 to index
          %parallel_loop3A_167 = arith.constant 80 : index
          %parallel_loop3A_168 = tpu.vector_load %arg5[%parallel_loop3A_165, %parallel_loop3A_166, %parallel_loop3A_167] {strides = array<i32>} : memref<2x64x128xi32, #tpu.memory_space<vmem>>, vector<16xi32>,
          tpu.vector_store_idx %arg4[%parallel_loop3A_168], %broadcast_in_dim3A_68 {add = true} : memref<16384xf32, #tpu.memory_space<vmem>>[vector<16xi32>], vector<16xf32>,
          %parallel_loop3A_169 = arith.constant 0 : i32
          %parallel_loop3A_170 = arith.index_cast %parallel_loop3A_169 : i32 to index
          %parallel_loop3A_171 = arith.index_cast %parallel_loop3A_138 : i32 to index
          %parallel_loop3A_172 = arith.constant 96 : index
          %parallel_loop3A_173 = tpu.vector_load %arg5[%parallel_loop3A_170, %parallel_loop3A_171, %parallel_loop3A_172] {strides = array<i32>} : memref<2x64x128xi32, #tpu.memory_space<vmem>>, vector<16xi32>,
          tpu.vector_store_idx %arg4[%parallel_loop3A_173], %broadcast_in_dim3A_68 {add = true} : memref<16384xf32, #tpu.memory_space<vmem>>[vector<16xi32>], vector<16xf32>,
          %parallel_loop3A_174 = arith.constant 0 : i32
          %parallel_loop3A_175 = arith.index_cast %parallel_loop3A_174 : i32 to index
          %parallel_loop3A_176 = arith.index_cast %parallel_loop3A_138 : i32 to index
          %parallel_loop3A_177 = arith.constant 112 : index
          %parallel_loop3A_178 = tpu.vector_load %arg5[%parallel_loop3A_175, %parallel_loop3A_176, %parallel_loop3A_177] {strides = array<i32>} : memref<2x64x128xi32, #tpu.memory_space<vmem>>, vector<16xi32>,
          tpu.vector_store_idx %arg4[%parallel_loop3A_178], %broadcast_in_dim3A_68 {add = true} : memref<16384xf32, #tpu.memory_space<vmem>>[vector<16xi32>], vector<16xf32>,
        } {sc.loop_unroll_factor = 2 : i64, sc.parallel_access}
        %add3A_109 = arith.constant 1 : i32
        %add3A_110 = arith.addi %mul3A_80, %add3A_109 : i32
        %add3A_111 = arith.constant 1 : i32
        %add3A_112 = arith.addi %add3A_110, %add3A_111 : i32
        %lt3A_113 = arith.constant 16 : i32
        %lt3A_114 = arith.cmpi slt, %add3A_112, %lt3A_113 : i32
        %convert_element_type3A_115 = arith.extui %lt3A_114 : i1 to i32
        %cond3A_116 = arith.constant 0 : i32
        %cond3A_117 = arith.cmpi ne, %convert_element_type3A_115, %cond3A_116 : i32
        scf.if %cond3A_117 {
          %add3A_138 = arith.constant 1 : i32
          %add3A_139 = arith.addi %add3A_110, %add3A_138 : i32
          %mul3A_140 = arith.constant 64 : i32
          %mul3A_141 = arith.muli %add3A_139, %mul3A_140 : i32
          %add3A_142 = arith.addi %mul3A_51, %mul3A_141 : i32
          %dma_start3A_143 = arith.constant 0 : i32
          %dma_start3A_144 = arith.constant 0 : i32
          %dma_start3A_145 = arith.constant 0 : i32
          %dma_start3A_146 = tpu.memref_slice %arg5[%dma_start3A_143, %dma_start3A_144, %dma_start3A_145] : memref<2x64x128xi32, #tpu.memory_space<vmem>> -> memref<1x64x128xi32, #tpu.memory_space<vmem>>
          %dma_start3A_147 = tpu.memref_squeeze %dma_start3A_146 : memref<1x64x128xi32, #tpu.memory_space<vmem>> -> memref<64x128xi32, #tpu.memory_space<vmem>>
          %dma_start3A_148 = arith.constant 0 : i32
          %dma_start3A_149 = tpu.memref_slice %arg2[%select_n3A, %add3A_142, %dma_start3A_148] : memref<21x4096x128xi32, #tpu.memory_space<hbm>> -> memref<1x64x128xi32, #tpu.memory_space<hbm>>
          %dma_start3A_150 = tpu.memref_squeeze %dma_start3A_149 : memref<1x64x128xi32, #tpu.memory_space<hbm>> -> memref<64x128xi32, #tpu.memory_space<hbm>>
          %dma_start3A_151 = arith.constant 0 : i32
          %dma_start3A_152 = arith.constant 0 : i32
          %dma_start3A_153 = tpu.memref_slice %arg5[%dma_start3A_143, %dma_start3A_151, %dma_start3A_152] : memref<2x64x128xi32, #tpu.memory_space<vmem>> -> memref<1x64x128xi32, #tpu.memory_space<vmem>>
          %dma_start3A_154 = tpu.memref_squeeze %dma_start3A_153 : memref<1x64x128xi32, #tpu.memory_space<vmem>> -> memref<64x128xi32, #tpu.memory_space<vmem>>
          %dma_start3A_155 = arith.constant 0 : i32
          %dma_start3A_156 = tpu.memref_slice %arg2[%select_n3A, %add3A_142, %dma_start3A_155] : memref<21x4096x128xi32, #tpu.memory_space<hbm>> -> memref<1x64x128xi32, #tpu.memory_space<hbm>>
          %dma_start3A_157 = tpu.memref_squeeze %dma_start3A_156 : memref<1x64x128xi32, #tpu.memory_space<hbm>> -> memref<64x128xi32, #tpu.memory_space<hbm>>
          tpu.enqueue_dma source(%dma_start3A_157 : memref<64x128xi32, #tpu.memory_space<hbm>>) target(%dma_start3A_154 : memref<64x128xi32, #tpu.memory_space<vmem>>) target_semaphore(%arg6 : memref<!tpu.dma_semaphore, #tpu.memory_space<semaphore_mem>>)
        } else {
        }
        %dma_wait3A_118 = arith.constant 1 : i32
        %dma_wait3A_119 = arith.constant 0 : i32
        %dma_wait3A_120 = arith.constant 0 : i32
        %dma_wait3A_121 = tpu.memref_slice %arg5[%dma_wait3A_118, %dma_wait3A_119, %dma_wait3A_120] : memref<2x64x128xi32, #tpu.memory_space<vmem>> -> memref<1x64x128xi32, #tpu.memory_space<vmem>>
        %dma_wait3A_122 = tpu.memref_squeeze %dma_wait3A_121 : memref<1x64x128xi32, #tpu.memory_space<vmem>> -> memref<64x128xi32, #tpu.memory_space<vmem>>
        %dma_wait3A_123 = arith.constant 0 : i32
        %dma_wait3A_124 = arith.constant 0 : i32
        %dma_wait3A_125 = tpu.memref_slice %arg2[%select_n3A, %dma_wait3A_123, %dma_wait3A_124] : memref<21x4096x128xi32, #tpu.memory_space<hbm>> -> memref<1x64x128xi32, #tpu.memory_space<hbm>>
        %dma_wait3A_126 = tpu.memref_squeeze %dma_wait3A_125 : memref<1x64x128xi32, #tpu.memory_space<hbm>> -> memref<64x128xi32, #tpu.memory_space<hbm>>
        %dma_wait3A_127 = arith.constant 0 : i32
        %dma_wait3A_128 = arith.constant 0 : i32
        %dma_wait3A_129 = tpu.memref_slice %arg5[%dma_wait3A_118, %dma_wait3A_127, %dma_wait3A_128] : memref<2x64x128xi32, #tpu.memory_space<vmem>> -> memref<1x64x128xi32, #tpu.memory_space<vmem>>
        %dma_wait3A_130 = tpu.memref_squeeze %dma_wait3A_129 : memref<1x64x128xi32, #tpu.memory_space<vmem>> -> memref<64x128xi32, #tpu.memory_space<vmem>>
        %dma_wait3A_131 = arith.constant 0 : i32
        %dma_wait3A_132 = arith.constant 0 : i32
        %dma_wait3A_133 = tpu.memref_slice %arg2[%select_n3A, %dma_wait3A_131, %dma_wait3A_132] : memref<21x4096x128xi32, #tpu.memory_space<hbm>> -> memref<1x64x128xi32, #tpu.memory_space<hbm>>
        %dma_wait3A_134 = tpu.memref_squeeze %dma_wait3A_133 : memref<1x64x128xi32, #tpu.memory_space<hbm>> -> memref<64x128xi32, #tpu.memory_space<hbm>>
        tpu.wait_dma2 semaphore(%arg7 : memref<!tpu.dma_semaphore, #tpu.memory_space<semaphore_mem>>) src(%dma_wait3A_134 : memref<64x128xi32, #tpu.memory_space<hbm>>) dst(%dma_wait3A_130 : memref<64x128xi32, #tpu.memory_space<vmem>>)
        %parallel_loop3A_135 = arith.constant 0 : i32
        %parallel_loop3A_136 = arith.constant 64 : i32
        %parallel_loop3A_137 = arith.constant 1 : i32
        scf.for %parallel_loop3A_138 = %parallel_loop3A_135 to %parallel_loop3A_136 step %parallel_loop3A_137  : i32 {
          %parallel_loop3A_139 = arith.constant 1 : i32
          %parallel_loop3A_140 = arith.index_cast %parallel_loop3A_139 : i32 to index
          %parallel_loop3A_141 = arith.index_cast %parallel_loop3A_138 : i32 to index
          %parallel_loop3A_142 = arith.constant 0 : index
          %parallel_loop3A_143 = tpu.vector_load %arg5[%parallel_loop3A_140, %parallel_loop3A_141, %parallel_loop3A_142] {strides = array<i32>} : memref<2x64x128xi32, #tpu.memory_space<vmem>>, vector<16xi32>,
          tpu.vector_store_idx %arg4[%parallel_loop3A_143], %broadcast_in_dim3A_68 {add = true} : memref<16384xf32, #tpu.memory_space<vmem>>[vector<16xi32>], vector<16xf32>,
          %parallel_loop3A_144 = arith.constant 1 : i32
          %parallel_loop3A_145 = arith.index_cast %parallel_loop3A_144 : i32 to index
          %parallel_loop3A_146 = arith.index_cast %parallel_loop3A_138 : i32 to index
          %parallel_loop3A_147 = arith.constant 16 : index
          %parallel_loop3A_148 = tpu.vector_load %arg5[%parallel_loop3A_145, %parallel_loop3A_146, %parallel_loop3A_147] {strides = array<i32>} : memref<2x64x128xi32, #tpu.memory_space<vmem>>, vector<16xi32>,
          tpu.vector_store_idx %arg4[%parallel_loop3A_148], %broadcast_in_dim3A_68 {add = true} : memref<16384xf32, #tpu.memory_space<vmem>>[vector<16xi32>], vector<16xf32>,
          %parallel_loop3A_149 = arith.constant 1 : i32
          %parallel_loop3A_150 = arith.index_cast %parallel_loop3A_149 : i32 to index
          %parallel_loop3A_151 = arith.index_cast %parallel_loop3A_138 : i32 to index
          %parallel_loop3A_152 = arith.constant 32 : index
          %parallel_loop3A_153 = tpu.vector_load %arg5[%parallel_loop3A_150, %parallel_loop3A_151, %parallel_loop3A_152] {strides = array<i32>} : memref<2x64x128xi32, #tpu.memory_space<vmem>>, vector<16xi32>,
          tpu.vector_store_idx %arg4[%parallel_loop3A_153], %broadcast_in_dim3A_68 {add = true} : memref<16384xf32, #tpu.memory_space<vmem>>[vector<16xi32>], vector<16xf32>,
          %parallel_loop3A_154 = arith.constant 1 : i32
          %parallel_loop3A_155 = arith.index_cast %parallel_loop3A_154 : i32 to index
          %parallel_loop3A_156 = arith.index_cast %parallel_loop3A_138 : i32 to index
          %parallel_loop3A_157 = arith.constant 48 : index
          %parallel_loop3A_158 = tpu.vector_load %arg5[%parallel_loop3A_155, %parallel_loop3A_156, %parallel_loop3A_157] {strides = array<i32>} : memref<2x64x128xi32, #tpu.memory_space<vmem>>, vector<16xi32>,
          tpu.vector_store_idx %arg4[%parallel_loop3A_158], %broadcast_in_dim3A_68 {add = true} : memref<16384xf32, #tpu.memory_space<vmem>>[vector<16xi32>], vector<16xf32>,
          %parallel_loop3A_159 = arith.constant 1 : i32
          %parallel_loop3A_160 = arith.index_cast %parallel_loop3A_159 : i32 to index
          %parallel_loop3A_161 = arith.index_cast %parallel_loop3A_138 : i32 to index
          %parallel_loop3A_162 = arith.constant 64 : index
          %parallel_loop3A_163 = tpu.vector_load %arg5[%parallel_loop3A_160, %parallel_loop3A_161, %parallel_loop3A_162] {strides = array<i32>} : memref<2x64x128xi32, #tpu.memory_space<vmem>>, vector<16xi32>,
          tpu.vector_store_idx %arg4[%parallel_loop3A_163], %broadcast_in_dim3A_68 {add = true} : memref<16384xf32, #tpu.memory_space<vmem>>[vector<16xi32>], vector<16xf32>,
          %parallel_loop3A_164 = arith.constant 1 : i32
          %parallel_loop3A_165 = arith.index_cast %parallel_loop3A_164 : i32 to index
          %parallel_loop3A_166 = arith.index_cast %parallel_loop3A_138 : i32 to index
          %parallel_loop3A_167 = arith.constant 80 : index
          %parallel_loop3A_168 = tpu.vector_load %arg5[%parallel_loop3A_165, %parallel_loop3A_166, %parallel_loop3A_167] {strides = array<i32>} : memref<2x64x128xi32, #tpu.memory_space<vmem>>, vector<16xi32>,
          tpu.vector_store_idx %arg4[%parallel_loop3A_168], %broadcast_in_dim3A_68 {add = true} : memref<16384xf32, #tpu.memory_space<vmem>>[vector<16xi32>], vector<16xf32>,
          %parallel_loop3A_169 = arith.constant 1 : i32
          %parallel_loop3A_170 = arith.index_cast %parallel_loop3A_169 : i32 to index
          %parallel_loop3A_171 = arith.index_cast %parallel_loop3A_138 : i32 to index
          %parallel_loop3A_172 = arith.constant 96 : index
          %parallel_loop3A_173 = tpu.vector_load %arg5[%parallel_loop3A_170, %parallel_loop3A_171, %parallel_loop3A_172] {strides = array<i32>} : memref<2x64x128xi32, #tpu.memory_space<vmem>>, vector<16xi32>,
          tpu.vector_store_idx %arg4[%parallel_loop3A_173], %broadcast_in_dim3A_68 {add = true} : memref<16384xf32, #tpu.memory_space<vmem>>[vector<16xi32>], vector<16xf32>,
          %parallel_loop3A_174 = arith.constant 1 : i32
          %parallel_loop3A_175 = arith.index_cast %parallel_loop3A_174 : i32 to index
          %parallel_loop3A_176 = arith.index_cast %parallel_loop3A_138 : i32 to index
          %parallel_loop3A_177 = arith.constant 112 : index
          %parallel_loop3A_178 = tpu.vector_load %arg5[%parallel_loop3A_175, %parallel_loop3A_176, %parallel_loop3A_177] {strides = array<i32>} : memref<2x64x128xi32, #tpu.memory_space<vmem>>, vector<16xi32>,
          tpu.vector_store_idx %arg4[%parallel_loop3A_178], %broadcast_in_dim3A_68 {add = true} : memref<16384xf32, #tpu.memory_space<vmem>>[vector<16xi32>], vector<16xf32>,
        } {sc.loop_unroll_factor = 2 : i64, sc.parallel_access}
      }
      %scan3A_73 = arith.constant 8 : i32
      %mul3A_74 = arith.constant 2 : i32
      %mul3A_75 = arith.muli %add3A_6, %mul3A_74 : i32
      %mul3A_76 = arith.constant 8192 : i32
      %mul3A_77 = arith.muli %mul3A_75, %mul3A_76 : i32
      "tpu.region"() ({
        %run_scoped3A = tpu.sem_alloc : memref<!tpu.dma_semaphore, #tpu.memory_space<semaphore_mem>>
        %dma_start3A_78 = tpu.memref_slice %arg3[%mul3A_77] : memref<1376256xf32, #tpu.memory_space<hbm>> -> memref<16384xf32, #tpu.memory_space<hbm>>
        %dma_start3A_79 = tpu.memref_slice %arg3[%mul3A_77] : memref<1376256xf32, #tpu.memory_space<hbm>> -> memref<16384xf32, #tpu.memory_space<hbm>>
        tpu.enqueue_dma source(%arg4 : memref<16384xf32, #tpu.memory_space<vmem>>) target(%dma_start3A_79 : memref<16384xf32, #tpu.memory_space<hbm>>) target_semaphore(%run_scoped3A : memref<!tpu.dma_semaphore, #tpu.memory_space<semaphore_mem>>)
        %dma_wait3A = tpu.memref_slice %arg3[%mul3A_77] : memref<1376256xf32, #tpu.memory_space<hbm>> -> memref<16384xf32, #tpu.memory_space<hbm>>
        %dma_wait3A_80 = tpu.memref_slice %arg3[%mul3A_77] : memref<1376256xf32, #tpu.memory_space<hbm>> -> memref<16384xf32, #tpu.memory_space<hbm>>
        tpu.wait_dma2 semaphore(%run_scoped3A : memref<!tpu.dma_semaphore, #tpu.memory_space<semaphore_mem>>) src(%arg4 : memref<16384xf32, #tpu.memory_space<vmem>>) dst(%dma_wait3A_80 : memref<16384xf32, #tpu.memory_space<hbm>>)
        tpu.yield
      }) : () -> ()
    } else {
    }
    %add3A_12 = arith.constant 64 : i32
    %add3A_13 = arith.addi %add3A, %add3A_12 : i32
    %lt3A_14 = arith.constant 84 : i32
    %lt3A_15 = arith.cmpi slt, %add3A_13, %lt3A_14 : i32
    %convert_element_type3A_16 = arith.extui %lt3A_15 : i1 to i32
    %cond3A_17 = arith.constant 0 : i32
    %cond3A_18 = arith.cmpi ne, %convert_element_type3A_16, %cond3A_17 : i32
    scf.if %cond3A_18 {
      %jit3A = arith.constant 4 : i32
      %div3A = arith.divsi %add3A_13, %jit3A : i32
      %sign3A = arith.constant 0 : i32
      %sign3A_19 = arith.cmpi sgt, %add3A_13, %sign3A : i32
      %sign3A_20 = arith.extui %sign3A_19 : i1 to i32
      %sign3A_21 = arith.constant 0 : i32
      %sign3A_22 = arith.cmpi slt, %add3A_13, %sign3A_21 : i32
      %sign3A_23 = arith.extui %sign3A_22 : i1 to i32
      %sign3A_24 = arith.subi %sign3A_20, %sign3A_23 : i32
      %sign3A_25 = arith.constant 0 : i32
      %sign3A_26 = arith.cmpi sgt, %jit3A, %sign3A_25 : i32
      %sign3A_27 = arith.extui %sign3A_26 : i1 to i32
      %sign3A_28 = arith.constant 0 : i32
      %sign3A_29 = arith.cmpi slt, %jit3A, %sign3A_28 : i32
      %sign3A_30 = arith.extui %sign3A_29 : i1 to i32
      %sign3A_31 = arith.subi %sign3A_27, %sign3A_30 : i32
      %ne3A = arith.cmpi ne, %sign3A_24, %sign3A_31 : i32
      %rem3A = arith.remsi %add3A_13, %jit3A : i32
      %ne3A_32 = arith.constant 0 : i32
      %ne3A_33 = arith.cmpi ne, %rem3A, %ne3A_32 : i32
      %and3A = arith.andi %ne3A, %ne3A_33 : i1
      %sub3A = arith.constant 1 : i32
      %sub3A_34 = arith.subi %div3A, %sub3A : i32
      %select_n3A = arith.select %and3A, %sub3A_34, %div3A : i32
      %jit3A_35 = arith.constant 4 : i32
      %eq3A = arith.constant 0 : i32
      %eq3A_36 = arith.cmpi eq, %jit3A_35, %eq3A : i32
      %jit3A_37 = arith.constant 1 : i32
      %select_n3A_38 = arith.select %eq3A_36, %jit3A_37, %jit3A_35 : i32
      %rem3A_39 = arith.remsi %add3A_13, %select_n3A_38 : i32
      %ne3A_40 = arith.constant 0 : i32
      %ne3A_41 = arith.cmpi ne, %rem3A_39, %ne3A_40 : i32
      %lt3A_42 = arith.constant 0 : i32
      %lt3A_43 = arith.cmpi slt, %rem3A_39, %lt3A_42 : i32
      %lt3A_44 = arith.constant 0 : i32
      %lt3A_45 = arith.cmpi slt, %select_n3A_38, %lt3A_44 : i32
      %ne3A_46 = arith.xori %lt3A_43, %lt3A_45 : i1
      %and3A_47 = arith.andi %ne3A_46, %ne3A_41 : i1
      %add3A_48 = arith.addi %rem3A_39, %select_n3A_38 : i32
      %select_n3A_49 = arith.select %and3A_47, %add3A_48, %rem3A_39 : i32
      %mul3A_50 = arith.constant 1024 : i32
      %mul3A_51 = arith.muli %select_n3A_49, %mul3A_50 : i32
      %dma_start3A = arith.constant 0 : i32
      %dma_start3A_52 = arith.constant 0 : i32
      %dma_start3A_53 = arith.constant 0 : i32
      %dma_start3A_54 = tpu.memref_slice %arg5[%dma_start3A, %dma_start3A_52, %dma_start3A_53] : memref<2x64x128xi32, #tpu.memory_space<vmem>> -> memref<1x64x128xi32, #tpu.memory_space<vmem>>
      %dma_start3A_55 = tpu.memref_squeeze %dma_start3A_54 : memref<1x64x128xi32, #tpu.memory_space<vmem>> -> memref<64x128xi32, #tpu.memory_space<vmem>>
      %dma_start3A_56 = arith.constant 0 : i32
      %dma_start3A_57 = tpu.memref_slice %arg2[%select_n3A, %mul3A_51, %dma_start3A_56] : memref<21x4096x128xi32, #tpu.memory_space<hbm>> -> memref<1x64x128xi32, #tpu.memory_space<hbm>>
      %dma_start3A_58 = tpu.memref_squeeze %dma_start3A_57 : memref<1x64x128xi32, #tpu.memory_space<hbm>> -> memref<64x128xi32, #tpu.memory_space<hbm>>
      %dma_start3A_59 = arith.constant 0 : i32
      %dma_start3A_60 = arith.constant 0 : i32
      %dma_start3A_61 = tpu.memref_slice %arg5[%dma_start3A, %dma_start3A_59, %dma_start3A_60] : memref<2x64x128xi32, #tpu.memory_space<vmem>> -> memref<1x64x128xi32, #tpu.memory_space<vmem>>
      %dma_start3A_62 = tpu.memref_squeeze %dma_start3A_61 : memref<1x64x128xi32, #tpu.memory_space<vmem>> -> memref<64x128xi32, #tpu.memory_space<vmem>>
      %dma_start3A_63 = arith.constant 0 : i32
      %dma_start3A_64 = tpu.memref_slice %arg2[%select_n3A, %mul3A_51, %dma_start3A_63] : memref<21x4096x128xi32, #tpu.memory_space<hbm>> -> memref<1x64x128xi32, #tpu.memory_space<hbm>>
      %dma_start3A_65 = tpu.memref_squeeze %dma_start3A_64 : memref<1x64x128xi32, #tpu.memory_space<hbm>> -> memref<64x128xi32, #tpu.memory_space<hbm>>
      tpu.enqueue_dma source(%dma_start3A_65 : memref<64x128xi32, #tpu.memory_space<hbm>>) target(%dma_start3A_62 : memref<64x128xi32, #tpu.memory_space<vmem>>) target_semaphore(%arg6 : memref<!tpu.dma_semaphore, #tpu.memory_space<semaphore_mem>>)
      %parallel_loop3A = arith.constant 0 : i32
      %parallel_loop3A_66 = arith.constant 1024 : i32
      %parallel_loop3A_67 = arith.constant 1 : i32
      scf.for %parallel_loop3A_78 = %parallel_loop3A to %parallel_loop3A_66 step %parallel_loop3A_67  : i32 {
        %parallel_loop3A_79 = arith.constant 0.000000e+00 : f32
        %parallel_loop3A_80 = vector.broadcast %parallel_loop3A_79 : f32 to vector<16xf32>
        %parallel_loop3A_81 = arith.constant 16 : i32
        %parallel_loop3A_82 = arith.muli %parallel_loop3A_78, %parallel_loop3A_81 : i32
        %parallel_loop3A_83 = arith.index_cast %parallel_loop3A_82 : i32 to index
        %parallel_loop3A_84 = tpu.vector_load %arg4[%parallel_loop3A_83] {strides = array<i32>} : memref<16384xf32, #tpu.memory_space<vmem>>, vector<16xf32>,
        tpu.vector_store %arg4[%parallel_loop3A_83], %parallel_loop3A_80 {strides = array<i32>} : memref<16384xf32, #tpu.memory_space<vmem>>, vector<16xf32>,
      } {sc.loop_unroll_factor = 8 : i64, sc.parallel_access}
      %broadcast_in_dim3A = arith.constant 1.000000e+00 : f32
      %broadcast_in_dim3A_68 = vector.broadcast %broadcast_in_dim3A : f32 to vector<16xf32>
      %scan3A = arith.constant 0 : i32
      %scan3A_69 = arith.constant 0 : i32
      %scan3A_70 = arith.constant 8 : i32
      %scan3A_71 = arith.addi %scan3A_69, %scan3A_70 : i32
      %scan3A_72 = arith.constant 1 : i32
      scf.for %scan3A_78 = %scan3A_69 to %scan3A_71 step %scan3A_72  : i32 {
        %mul3A_79 = arith.constant 2 : i32
        %mul3A_80 = arith.muli %scan3A_78, %mul3A_79 : i32
        %add3A_81 = arith.constant 0 : i32
        %add3A_82 = arith.addi %mul3A_80, %add3A_81 : i32
        %add3A_83 = arith.constant 1 : i32
        %add3A_84 = arith.addi %add3A_82, %add3A_83 : i32
        %lt3A_85 = arith.constant 16 : i32
        %lt3A_86 = arith.cmpi slt, %add3A_84, %lt3A_85 : i32
        %convert_element_type3A_87 = arith.extui %lt3A_86 : i1 to i32
        %cond3A_88 = arith.constant 0 : i32
        %cond3A_89 = arith.cmpi ne, %convert_element_type3A_87, %cond3A_88 : i32
        scf.if %cond3A_89 {
          %add3A_138 = arith.constant 1 : i32
          %add3A_139 = arith.addi %add3A_82, %add3A_138 : i32
          %mul3A_140 = arith.constant 64 : i32
          %mul3A_141 = arith.muli %add3A_139, %mul3A_140 : i32
          %add3A_142 = arith.addi %mul3A_51, %mul3A_141 : i32
          %dma_start3A_143 = arith.constant 1 : i32
          %dma_start3A_144 = arith.constant 0 : i32
          %dma_start3A_145 = arith.constant 0 : i32
          %dma_start3A_146 = tpu.memref_slice %arg5[%dma_start3A_143, %dma_start3A_144, %dma_start3A_145] : memref<2x64x128xi32, #tpu.memory_space<vmem>> -> memref<1x64x128xi32, #tpu.memory_space<vmem>>
          %dma_start3A_147 = tpu.memref_squeeze %dma_start3A_146 : memref<1x64x128xi32, #tpu.memory_space<vmem>> -> memref<64x128xi32, #tpu.memory_space<vmem>>
          %dma_start3A_148 = arith.constant 0 : i32
          %dma_start3A_149 = tpu.memref_slice %arg2[%select_n3A, %add3A_142, %dma_start3A_148] : memref<21x4096x128xi32, #tpu.memory_space<hbm>> -> memref<1x64x128xi32, #tpu.memory_space<hbm>>
          %dma_start3A_150 = tpu.memref_squeeze %dma_start3A_149 : memref<1x64x128xi32, #tpu.memory_space<hbm>> -> memref<64x128xi32, #tpu.memory_space<hbm>>
          %dma_start3A_151 = arith.constant 0 : i32
          %dma_start3A_152 = arith.constant 0 : i32
          %dma_start3A_153 = tpu.memref_slice %arg5[%dma_start3A_143, %dma_start3A_151, %dma_start3A_152] : memref<2x64x128xi32, #tpu.memory_space<vmem>> -> memref<1x64x128xi32, #tpu.memory_space<vmem>>
          %dma_start3A_154 = tpu.memref_squeeze %dma_start3A_153 : memref<1x64x128xi32, #tpu.memory_space<vmem>> -> memref<64x128xi32, #tpu.memory_space<vmem>>
          %dma_start3A_155 = arith.constant 0 : i32
          %dma_start3A_156 = tpu.memref_slice %arg2[%select_n3A, %add3A_142, %dma_start3A_155] : memref<21x4096x128xi32, #tpu.memory_space<hbm>> -> memref<1x64x128xi32, #tpu.memory_space<hbm>>
          %dma_start3A_157 = tpu.memref_squeeze %dma_start3A_156 : memref<1x64x128xi32, #tpu.memory_space<hbm>> -> memref<64x128xi32, #tpu.memory_space<hbm>>
          tpu.enqueue_dma source(%dma_start3A_157 : memref<64x128xi32, #tpu.memory_space<hbm>>) target(%dma_start3A_154 : memref<64x128xi32, #tpu.memory_space<vmem>>) target_semaphore(%arg7 : memref<!tpu.dma_semaphore, #tpu.memory_space<semaphore_mem>>)
        } else {
        }
        %dma_wait3A = arith.constant 0 : i32
        %dma_wait3A_90 = arith.constant 0 : i32
        %dma_wait3A_91 = arith.constant 0 : i32
        %dma_wait3A_92 = tpu.memref_slice %arg5[%dma_wait3A, %dma_wait3A_90, %dma_wait3A_91] : memref<2x64x128xi32, #tpu.memory_space<vmem>> -> memref<1x64x128xi32, #tpu.memory_space<vmem>>
        %dma_wait3A_93 = tpu.memref_squeeze %dma_wait3A_92 : memref<1x64x128xi32, #tpu.memory_space<vmem>> -> memref<64x128xi32, #tpu.memory_space<vmem>>
        %dma_wait3A_94 = arith.constant 0 : i32
        %dma_wait3A_95 = arith.constant 0 : i32
        %dma_wait3A_96 = tpu.memref_slice %arg2[%select_n3A, %dma_wait3A_94, %dma_wait3A_95] : memref<21x4096x128xi32, #tpu.memory_space<hbm>> -> memref<1x64x128xi32, #tpu.memory_space<hbm>>
        %dma_wait3A_97 = tpu.memref_squeeze %dma_wait3A_96 : memref<1x64x128xi32, #tpu.memory_space<hbm>> -> memref<64x128xi32, #tpu.memory_space<hbm>>
        %dma_wait3A_98 = arith.constant 0 : i32
        %dma_wait3A_99 = arith.constant 0 : i32
        %dma_wait3A_100 = tpu.memref_slice %arg5[%dma_wait3A, %dma_wait3A_98, %dma_wait3A_99] : memref<2x64x128xi32, #tpu.memory_space<vmem>> -> memref<1x64x128xi32, #tpu.memory_space<vmem>>
        %dma_wait3A_101 = tpu.memref_squeeze %dma_wait3A_100 : memref<1x64x128xi32, #tpu.memory_space<vmem>> -> memref<64x128xi32, #tpu.memory_space<vmem>>
        %dma_wait3A_102 = arith.constant 0 : i32
        %dma_wait3A_103 = arith.constant 0 : i32
        %dma_wait3A_104 = tpu.memref_slice %arg2[%select_n3A, %dma_wait3A_102, %dma_wait3A_103] : memref<21x4096x128xi32, #tpu.memory_space<hbm>> -> memref<1x64x128xi32, #tpu.memory_space<hbm>>
        %dma_wait3A_105 = tpu.memref_squeeze %dma_wait3A_104 : memref<1x64x128xi32, #tpu.memory_space<hbm>> -> memref<64x128xi32, #tpu.memory_space<hbm>>
        tpu.wait_dma2 semaphore(%arg6 : memref<!tpu.dma_semaphore, #tpu.memory_space<semaphore_mem>>) src(%dma_wait3A_105 : memref<64x128xi32, #tpu.memory_space<hbm>>) dst(%dma_wait3A_101 : memref<64x128xi32, #tpu.memory_space<vmem>>)
        %parallel_loop3A_106 = arith.constant 0 : i32
        %parallel_loop3A_107 = arith.constant 64 : i32
        %parallel_loop3A_108 = arith.constant 1 : i32
        scf.for %parallel_loop3A_138 = %parallel_loop3A_106 to %parallel_loop3A_107 step %parallel_loop3A_108  : i32 {
          %parallel_loop3A_139 = arith.constant 0 : i32
          %parallel_loop3A_140 = arith.index_cast %parallel_loop3A_139 : i32 to index
          %parallel_loop3A_141 = arith.index_cast %parallel_loop3A_138 : i32 to index
          %parallel_loop3A_142 = arith.constant 0 : index
          %parallel_loop3A_143 = tpu.vector_load %arg5[%parallel_loop3A_140, %parallel_loop3A_141, %parallel_loop3A_142] {strides = array<i32>} : memref<2x64x128xi32, #tpu.memory_space<vmem>>, vector<16xi32>,
          tpu.vector_store_idx %arg4[%parallel_loop3A_143], %broadcast_in_dim3A_68 {add = true} : memref<16384xf32, #tpu.memory_space<vmem>>[vector<16xi32>], vector<16xf32>,
          %parallel_loop3A_144 = arith.constant 0 : i32
          %parallel_loop3A_145 = arith.index_cast %parallel_loop3A_144 : i32 to index
          %parallel_loop3A_146 = arith.index_cast %parallel_loop3A_138 : i32 to index
          %parallel_loop3A_147 = arith.constant 16 : index
          %parallel_loop3A_148 = tpu.vector_load %arg5[%parallel_loop3A_145, %parallel_loop3A_146, %parallel_loop3A_147] {strides = array<i32>} : memref<2x64x128xi32, #tpu.memory_space<vmem>>, vector<16xi32>,
          tpu.vector_store_idx %arg4[%parallel_loop3A_148], %broadcast_in_dim3A_68 {add = true} : memref<16384xf32, #tpu.memory_space<vmem>>[vector<16xi32>], vector<16xf32>,
          %parallel_loop3A_149 = arith.constant 0 : i32
          %parallel_loop3A_150 = arith.index_cast %parallel_loop3A_149 : i32 to index
          %parallel_loop3A_151 = arith.index_cast %parallel_loop3A_138 : i32 to index
          %parallel_loop3A_152 = arith.constant 32 : index
          %parallel_loop3A_153 = tpu.vector_load %arg5[%parallel_loop3A_150, %parallel_loop3A_151, %parallel_loop3A_152] {strides = array<i32>} : memref<2x64x128xi32, #tpu.memory_space<vmem>>, vector<16xi32>,
          tpu.vector_store_idx %arg4[%parallel_loop3A_153], %broadcast_in_dim3A_68 {add = true} : memref<16384xf32, #tpu.memory_space<vmem>>[vector<16xi32>], vector<16xf32>,
          %parallel_loop3A_154 = arith.constant 0 : i32
          %parallel_loop3A_155 = arith.index_cast %parallel_loop3A_154 : i32 to index
          %parallel_loop3A_156 = arith.index_cast %parallel_loop3A_138 : i32 to index
          %parallel_loop3A_157 = arith.constant 48 : index
          %parallel_loop3A_158 = tpu.vector_load %arg5[%parallel_loop3A_155, %parallel_loop3A_156, %parallel_loop3A_157] {strides = array<i32>} : memref<2x64x128xi32, #tpu.memory_space<vmem>>, vector<16xi32>,
          tpu.vector_store_idx %arg4[%parallel_loop3A_158], %broadcast_in_dim3A_68 {add = true} : memref<16384xf32, #tpu.memory_space<vmem>>[vector<16xi32>], vector<16xf32>,
          %parallel_loop3A_159 = arith.constant 0 : i32
          %parallel_loop3A_160 = arith.index_cast %parallel_loop3A_159 : i32 to index
          %parallel_loop3A_161 = arith.index_cast %parallel_loop3A_138 : i32 to index
          %parallel_loop3A_162 = arith.constant 64 : index
          %parallel_loop3A_163 = tpu.vector_load %arg5[%parallel_loop3A_160, %parallel_loop3A_161, %parallel_loop3A_162] {strides = array<i32>} : memref<2x64x128xi32, #tpu.memory_space<vmem>>, vector<16xi32>,
          tpu.vector_store_idx %arg4[%parallel_loop3A_163], %broadcast_in_dim3A_68 {add = true} : memref<16384xf32, #tpu.memory_space<vmem>>[vector<16xi32>], vector<16xf32>,
          %parallel_loop3A_164 = arith.constant 0 : i32
          %parallel_loop3A_165 = arith.index_cast %parallel_loop3A_164 : i32 to index
          %parallel_loop3A_166 = arith.index_cast %parallel_loop3A_138 : i32 to index
          %parallel_loop3A_167 = arith.constant 80 : index
          %parallel_loop3A_168 = tpu.vector_load %arg5[%parallel_loop3A_165, %parallel_loop3A_166, %parallel_loop3A_167] {strides = array<i32>} : memref<2x64x128xi32, #tpu.memory_space<vmem>>, vector<16xi32>,
          tpu.vector_store_idx %arg4[%parallel_loop3A_168], %broadcast_in_dim3A_68 {add = true} : memref<16384xf32, #tpu.memory_space<vmem>>[vector<16xi32>], vector<16xf32>,
          %parallel_loop3A_169 = arith.constant 0 : i32
          %parallel_loop3A_170 = arith.index_cast %parallel_loop3A_169 : i32 to index
          %parallel_loop3A_171 = arith.index_cast %parallel_loop3A_138 : i32 to index
          %parallel_loop3A_172 = arith.constant 96 : index
          %parallel_loop3A_173 = tpu.vector_load %arg5[%parallel_loop3A_170, %parallel_loop3A_171, %parallel_loop3A_172] {strides = array<i32>} : memref<2x64x128xi32, #tpu.memory_space<vmem>>, vector<16xi32>,
          tpu.vector_store_idx %arg4[%parallel_loop3A_173], %broadcast_in_dim3A_68 {add = true} : memref<16384xf32, #tpu.memory_space<vmem>>[vector<16xi32>], vector<16xf32>,
          %parallel_loop3A_174 = arith.constant 0 : i32
          %parallel_loop3A_175 = arith.index_cast %parallel_loop3A_174 : i32 to index
          %parallel_loop3A_176 = arith.index_cast %parallel_loop3A_138 : i32 to index
          %parallel_loop3A_177 = arith.constant 112 : index
          %parallel_loop3A_178 = tpu.vector_load %arg5[%parallel_loop3A_175, %parallel_loop3A_176, %parallel_loop3A_177] {strides = array<i32>} : memref<2x64x128xi32, #tpu.memory_space<vmem>>, vector<16xi32>,
          tpu.vector_store_idx %arg4[%parallel_loop3A_178], %broadcast_in_dim3A_68 {add = true} : memref<16384xf32, #tpu.memory_space<vmem>>[vector<16xi32>], vector<16xf32>,
        } {sc.loop_unroll_factor = 2 : i64, sc.parallel_access}
        %add3A_109 = arith.constant 1 : i32
        %add3A_110 = arith.addi %mul3A_80, %add3A_109 : i32
        %add3A_111 = arith.constant 1 : i32
        %add3A_112 = arith.addi %add3A_110, %add3A_111 : i32
        %lt3A_113 = arith.constant 16 : i32
        %lt3A_114 = arith.cmpi slt, %add3A_112, %lt3A_113 : i32
        %convert_element_type3A_115 = arith.extui %lt3A_114 : i1 to i32
        %cond3A_116 = arith.constant 0 : i32
        %cond3A_117 = arith.cmpi ne, %convert_element_type3A_115, %cond3A_116 : i32
        scf.if %cond3A_117 {
          %add3A_138 = arith.constant 1 : i32
          %add3A_139 = arith.addi %add3A_110, %add3A_138 : i32
          %mul3A_140 = arith.constant 64 : i32
          %mul3A_141 = arith.muli %add3A_139, %mul3A_140 : i32
          %add3A_142 = arith.addi %mul3A_51, %mul3A_141 : i32
          %dma_start3A_143 = arith.constant 0 : i32
          %dma_start3A_144 = arith.constant 0 : i32
          %dma_start3A_145 = arith.constant 0 : i32
          %dma_start3A_146 = tpu.memref_slice %arg5[%dma_start3A_143, %dma_start3A_144, %dma_start3A_145] : memref<2x64x128xi32, #tpu.memory_space<vmem>> -> memref<1x64x128xi32, #tpu.memory_space<vmem>>
          %dma_start3A_147 = tpu.memref_squeeze %dma_start3A_146 : memref<1x64x128xi32, #tpu.memory_space<vmem>> -> memref<64x128xi32, #tpu.memory_space<vmem>>
          %dma_start3A_148 = arith.constant 0 : i32
          %dma_start3A_149 = tpu.memref_slice %arg2[%select_n3A, %add3A_142, %dma_start3A_148] : memref<21x4096x128xi32, #tpu.memory_space<hbm>> -> memref<1x64x128xi32, #tpu.memory_space<hbm>>
          %dma_start3A_150 = tpu.memref_squeeze %dma_start3A_149 : memref<1x64x128xi32, #tpu.memory_space<hbm>> -> memref<64x128xi32, #tpu.memory_space<hbm>>
          %dma_start3A_151 = arith.constant 0 : i32
          %dma_start3A_152 = arith.constant 0 : i32
          %dma_start3A_153 = tpu.memref_slice %arg5[%dma_start3A_143, %dma_start3A_151, %dma_start3A_152] : memref<2x64x128xi32, #tpu.memory_space<vmem>> -> memref<1x64x128xi32, #tpu.memory_space<vmem>>
          %dma_start3A_154 = tpu.memref_squeeze %dma_start3A_153 : memref<1x64x128xi32, #tpu.memory_space<vmem>> -> memref<64x128xi32, #tpu.memory_space<vmem>>
          %dma_start3A_155 = arith.constant 0 : i32
          %dma_start3A_156 = tpu.memref_slice %arg2[%select_n3A, %add3A_142, %dma_start3A_155] : memref<21x4096x128xi32, #tpu.memory_space<hbm>> -> memref<1x64x128xi32, #tpu.memory_space<hbm>>
          %dma_start3A_157 = tpu.memref_squeeze %dma_start3A_156 : memref<1x64x128xi32, #tpu.memory_space<hbm>> -> memref<64x128xi32, #tpu.memory_space<hbm>>
          tpu.enqueue_dma source(%dma_start3A_157 : memref<64x128xi32, #tpu.memory_space<hbm>>) target(%dma_start3A_154 : memref<64x128xi32, #tpu.memory_space<vmem>>) target_semaphore(%arg6 : memref<!tpu.dma_semaphore, #tpu.memory_space<semaphore_mem>>)
        } else {
        }
        %dma_wait3A_118 = arith.constant 1 : i32
        %dma_wait3A_119 = arith.constant 0 : i32
        %dma_wait3A_120 = arith.constant 0 : i32
        %dma_wait3A_121 = tpu.memref_slice %arg5[%dma_wait3A_118, %dma_wait3A_119, %dma_wait3A_120] : memref<2x64x128xi32, #tpu.memory_space<vmem>> -> memref<1x64x128xi32, #tpu.memory_space<vmem>>
        %dma_wait3A_122 = tpu.memref_squeeze %dma_wait3A_121 : memref<1x64x128xi32, #tpu.memory_space<vmem>> -> memref<64x128xi32, #tpu.memory_space<vmem>>
        %dma_wait3A_123 = arith.constant 0 : i32
        %dma_wait3A_124 = arith.constant 0 : i32
        %dma_wait3A_125 = tpu.memref_slice %arg2[%select_n3A, %dma_wait3A_123, %dma_wait3A_124] : memref<21x4096x128xi32, #tpu.memory_space<hbm>> -> memref<1x64x128xi32, #tpu.memory_space<hbm>>
        %dma_wait3A_126 = tpu.memref_squeeze %dma_wait3A_125 : memref<1x64x128xi32, #tpu.memory_space<hbm>> -> memref<64x128xi32, #tpu.memory_space<hbm>>
        %dma_wait3A_127 = arith.constant 0 : i32
        %dma_wait3A_128 = arith.constant 0 : i32
        %dma_wait3A_129 = tpu.memref_slice %arg5[%dma_wait3A_118, %dma_wait3A_127, %dma_wait3A_128] : memref<2x64x128xi32, #tpu.memory_space<vmem>> -> memref<1x64x128xi32, #tpu.memory_space<vmem>>
        %dma_wait3A_130 = tpu.memref_squeeze %dma_wait3A_129 : memref<1x64x128xi32, #tpu.memory_space<vmem>> -> memref<64x128xi32, #tpu.memory_space<vmem>>
        %dma_wait3A_131 = arith.constant 0 : i32
        %dma_wait3A_132 = arith.constant 0 : i32
        %dma_wait3A_133 = tpu.memref_slice %arg2[%select_n3A, %dma_wait3A_131, %dma_wait3A_132] : memref<21x4096x128xi32, #tpu.memory_space<hbm>> -> memref<1x64x128xi32, #tpu.memory_space<hbm>>
        %dma_wait3A_134 = tpu.memref_squeeze %dma_wait3A_133 : memref<1x64x128xi32, #tpu.memory_space<hbm>> -> memref<64x128xi32, #tpu.memory_space<hbm>>
        tpu.wait_dma2 semaphore(%arg7 : memref<!tpu.dma_semaphore, #tpu.memory_space<semaphore_mem>>) src(%dma_wait3A_134 : memref<64x128xi32, #tpu.memory_space<hbm>>) dst(%dma_wait3A_130 : memref<64x128xi32, #tpu.memory_space<vmem>>)
        %parallel_loop3A_135 = arith.constant 0 : i32
        %parallel_loop3A_136 = arith.constant 64 : i32
        %parallel_loop3A_137 = arith.constant 1 : i32
        scf.for %parallel_loop3A_138 = %parallel_loop3A_135 to %parallel_loop3A_136 step %parallel_loop3A_137  : i32 {
          %parallel_loop3A_139 = arith.constant 1 : i32
          %parallel_loop3A_140 = arith.index_cast %parallel_loop3A_139 : i32 to index
          %parallel_loop3A_141 = arith.index_cast %parallel_loop3A_138 : i32 to index
          %parallel_loop3A_142 = arith.constant 0 : index
          %parallel_loop3A_143 = tpu.vector_load %arg5[%parallel_loop3A_140, %parallel_loop3A_141, %parallel_loop3A_142] {strides = array<i32>} : memref<2x64x128xi32, #tpu.memory_space<vmem>>, vector<16xi32>,
          tpu.vector_store_idx %arg4[%parallel_loop3A_143], %broadcast_in_dim3A_68 {add = true} : memref<16384xf32, #tpu.memory_space<vmem>>[vector<16xi32>], vector<16xf32>,
          %parallel_loop3A_144 = arith.constant 1 : i32
          %parallel_loop3A_145 = arith.index_cast %parallel_loop3A_144 : i32 to index
          %parallel_loop3A_146 = arith.index_cast %parallel_loop3A_138 : i32 to index
          %parallel_loop3A_147 = arith.constant 16 : index
          %parallel_loop3A_148 = tpu.vector_load %arg5[%parallel_loop3A_145, %parallel_loop3A_146, %parallel_loop3A_147] {strides = array<i32>} : memref<2x64x128xi32, #tpu.memory_space<vmem>>, vector<16xi32>,
          tpu.vector_store_idx %arg4[%parallel_loop3A_148], %broadcast_in_dim3A_68 {add = true} : memref<16384xf32, #tpu.memory_space<vmem>>[vector<16xi32>], vector<16xf32>,
          %parallel_loop3A_149 = arith.constant 1 : i32
          %parallel_loop3A_150 = arith.index_cast %parallel_loop3A_149 : i32 to index
          %parallel_loop3A_151 = arith.index_cast %parallel_loop3A_138 : i32 to index
          %parallel_loop3A_152 = arith.constant 32 : index
          %parallel_loop3A_153 = tpu.vector_load %arg5[%parallel_loop3A_150, %parallel_loop3A_151, %parallel_loop3A_152] {strides = array<i32>} : memref<2x64x128xi32, #tpu.memory_space<vmem>>, vector<16xi32>,
          tpu.vector_store_idx %arg4[%parallel_loop3A_153], %broadcast_in_dim3A_68 {add = true} : memref<16384xf32, #tpu.memory_space<vmem>>[vector<16xi32>], vector<16xf32>,
          %parallel_loop3A_154 = arith.constant 1 : i32
          %parallel_loop3A_155 = arith.index_cast %parallel_loop3A_154 : i32 to index
          %parallel_loop3A_156 = arith.index_cast %parallel_loop3A_138 : i32 to index
          %parallel_loop3A_157 = arith.constant 48 : index
          %parallel_loop3A_158 = tpu.vector_load %arg5[%parallel_loop3A_155, %parallel_loop3A_156, %parallel_loop3A_157] {strides = array<i32>} : memref<2x64x128xi32, #tpu.memory_space<vmem>>, vector<16xi32>,
          tpu.vector_store_idx %arg4[%parallel_loop3A_158], %broadcast_in_dim3A_68 {add = true} : memref<16384xf32, #tpu.memory_space<vmem>>[vector<16xi32>], vector<16xf32>,
          %parallel_loop3A_159 = arith.constant 1 : i32
          %parallel_loop3A_160 = arith.index_cast %parallel_loop3A_159 : i32 to index
          %parallel_loop3A_161 = arith.index_cast %parallel_loop3A_138 : i32 to index
          %parallel_loop3A_162 = arith.constant 64 : index
          %parallel_loop3A_163 = tpu.vector_load %arg5[%parallel_loop3A_160, %parallel_loop3A_161, %parallel_loop3A_162] {strides = array<i32>} : memref<2x64x128xi32, #tpu.memory_space<vmem>>, vector<16xi32>,
          tpu.vector_store_idx %arg4[%parallel_loop3A_163], %broadcast_in_dim3A_68 {add = true} : memref<16384xf32, #tpu.memory_space<vmem>>[vector<16xi32>], vector<16xf32>,
          %parallel_loop3A_164 = arith.constant 1 : i32
          %parallel_loop3A_165 = arith.index_cast %parallel_loop3A_164 : i32 to index
          %parallel_loop3A_166 = arith.index_cast %parallel_loop3A_138 : i32 to index
          %parallel_loop3A_167 = arith.constant 80 : index
          %parallel_loop3A_168 = tpu.vector_load %arg5[%parallel_loop3A_165, %parallel_loop3A_166, %parallel_loop3A_167] {strides = array<i32>} : memref<2x64x128xi32, #tpu.memory_space<vmem>>, vector<16xi32>,
          tpu.vector_store_idx %arg4[%parallel_loop3A_168], %broadcast_in_dim3A_68 {add = true} : memref<16384xf32, #tpu.memory_space<vmem>>[vector<16xi32>], vector<16xf32>,
          %parallel_loop3A_169 = arith.constant 1 : i32
          %parallel_loop3A_170 = arith.index_cast %parallel_loop3A_169 : i32 to index
          %parallel_loop3A_171 = arith.index_cast %parallel_loop3A_138 : i32 to index
          %parallel_loop3A_172 = arith.constant 96 : index
          %parallel_loop3A_173 = tpu.vector_load %arg5[%parallel_loop3A_170, %parallel_loop3A_171, %parallel_loop3A_172] {strides = array<i32>} : memref<2x64x128xi32, #tpu.memory_space<vmem>>, vector<16xi32>,
          tpu.vector_store_idx %arg4[%parallel_loop3A_173], %broadcast_in_dim3A_68 {add = true} : memref<16384xf32, #tpu.memory_space<vmem>>[vector<16xi32>], vector<16xf32>,
          %parallel_loop3A_174 = arith.constant 1 : i32
          %parallel_loop3A_175 = arith.index_cast %parallel_loop3A_174 : i32 to index
          %parallel_loop3A_176 = arith.index_cast %parallel_loop3A_138 : i32 to index
          %parallel_loop3A_177 = arith.constant 112 : index
          %parallel_loop3A_178 = tpu.vector_load %arg5[%parallel_loop3A_175, %parallel_loop3A_176, %parallel_loop3A_177] {strides = array<i32>} : memref<2x64x128xi32, #tpu.memory_space<vmem>>, vector<16xi32>,
          tpu.vector_store_idx %arg4[%parallel_loop3A_178], %broadcast_in_dim3A_68 {add = true} : memref<16384xf32, #tpu.memory_space<vmem>>[vector<16xi32>], vector<16xf32>,
        } {sc.loop_unroll_factor = 2 : i64, sc.parallel_access}
      }
      %scan3A_73 = arith.constant 8 : i32
      %mul3A_74 = arith.constant 2 : i32
      %mul3A_75 = arith.muli %add3A_13, %mul3A_74 : i32
      %mul3A_76 = arith.constant 8192 : i32
      %mul3A_77 = arith.muli %mul3A_75, %mul3A_76 : i32
      "tpu.region"() ({
        %run_scoped3A = tpu.sem_alloc : memref<!tpu.dma_semaphore, #tpu.memory_space<semaphore_mem>>
        %dma_start3A_78 = tpu.memref_slice %arg3[%mul3A_77] : memref<1376256xf32, #tpu.memory_space<hbm>> -> memref<16384xf32, #tpu.memory_space<hbm>>
        %dma_start3A_79 = tpu.memref_slice %arg3[%mul3A_77] : memref<1376256xf32, #tpu.memory_space<hbm>> -> memref<16384xf32, #tpu.memory_space<hbm>>
        tpu.enqueue_dma source(%arg4 : memref<16384xf32, #tpu.memory_space<vmem>>) target(%dma_start3A_79 : memref<16384xf32, #tpu.memory_space<hbm>>) target_semaphore(%run_scoped3A : memref<!tpu.dma_semaphore, #tpu.memory_space<semaphore_mem>>)
        %dma_wait3A = tpu.memref_slice %arg3[%mul3A_77] : memref<1376256xf32, #tpu.memory_space<hbm>> -> memref<16384xf32, #tpu.memory_space<hbm>>
        %dma_wait3A_80 = tpu.memref_slice %arg3[%mul3A_77] : memref<1376256xf32, #tpu.memory_space<hbm>> -> memref<16384xf32, #tpu.memory_space<hbm>>
        tpu.wait_dma2 semaphore(%run_scoped3A : memref<!tpu.dma_semaphore, #tpu.memory_space<semaphore_mem>>) src(%arg4 : memref<16384xf32, #tpu.memory_space<vmem>>) dst(%dma_wait3A_80 : memref<16384xf32, #tpu.memory_space<hbm>>)
        tpu.yield
      }) : () -> ()
    } else {
    }
    return
  }
}

module attributes {stable_mosaic.version = 14 : i64} {
  func.func @_softmax_body(%arg0: i32, %arg1: i32, %arg2: memref<1x21x8x512xf32, #tpu.memory_space<vmem>>, %arg3: memref<1x8x512xi32, #tpu.memory_space<vmem>>, %arg4: memref<21x32x128xi32, #tpu.memory_space<vmem>>) attributes {dimension_semantics = [#tpu.dimension_semantics<arbitrary>, #tpu.dimension_semantics<arbitrary>], iteration_bounds = array<i64: 2, 64>, scalar_prefetch = 0 : i64, scratch_operands = 0 : i64, tpu.core_type = #tpu.core_type<tc>, window_params = [{transform_indices = @transform_0, window_bounds = array<i64: 1, 21, 8, 512>}, {transform_indices = @transform_1, window_bounds = array<i64: 1, 8, 512>}, {transform_indices = @transform_2, window_bounds = array<i64: 21, 32, 128>}]} {
    %get3A = arith.constant 0 : index
    %get3A_0 = arith.constant 0 : index
    %get3A_1 = arith.constant 0 : index
    %get3A_2 = arith.constant 0 : index
    %get3A_3 = vector.load %arg2[%get3A, %get3A_0, %get3A_1, %get3A_2] : memref<1x21x8x512xf32, #tpu.memory_space<vmem>>, vector<1x21x8x512xf32>
    %reduce_max3A = arith.constant dense<0xFF800000> : vector<1x8x512xf32>
    %reduce_max3A_4 = vector.multi_reduction <maximumf>, %get3A_3, %reduce_max3A [1] : vector<1x21x8x512xf32> to vector<1x8x512xf32>
    %broadcast_in_dim3A = vector.shape_cast %reduce_max3A_4 : vector<1x8x512xf32> to vector<1x1x8x512xf32>
    %sub3A = vector.broadcast %broadcast_in_dim3A : vector<1x1x8x512xf32> to vector<1x21x8x512xf32>
    %sub3A_5 = arith.subf %get3A_3, %sub3A : vector<1x21x8x512xf32>
    %exp3A = math.exp %sub3A_5 : vector<1x21x8x512xf32>
    %reduce_sum3A = arith.constant dense<0.000000e+00> : vector<1x8x512xf32>
    %reduce_sum3A_6 = vector.multi_reduction <add>, %exp3A, %reduce_sum3A [1] : vector<1x21x8x512xf32> to vector<1x8x512xf32>
    %broadcast_in_dim3A_7 = vector.shape_cast %reduce_sum3A_6 : vector<1x8x512xf32> to vector<1x1x8x512xf32>
    %div3A = vector.broadcast %broadcast_in_dim3A_7 : vector<1x1x8x512xf32> to vector<1x21x8x512xf32>
    %div3A_8 = arith.divf %exp3A, %div3A : vector<1x21x8x512xf32>
    %mul3A = arith.constant 8.191500e+03 : f32
    %mul3A_9 = vector.broadcast %mul3A : f32 to vector<1x21x8x512xf32>
    %mul3A_10 = arith.mulf %div3A_8, %mul3A_9 : vector<1x21x8x512xf32>
    %iota3A = tpu.iota {dimensions = array<i32: 1>} : vector<1x21x8x512xi32>
    %get3A_11 = arith.constant 0 : index
    %get3A_12 = arith.constant 0 : index
    %get3A_13 = arith.constant 0 : index
    %get3A_14 = vector.load %arg3[%get3A_11, %get3A_12, %get3A_13] : memref<1x8x512xi32, #tpu.memory_space<vmem>>, vector<1x8x512xi32>
    %broadcast_in_dim3A_15 = vector.shape_cast %get3A_14 : vector<1x8x512xi32> to vector<1x1x8x512xi32>
    %eq3A = vector.broadcast %broadcast_in_dim3A_15 : vector<1x1x8x512xi32> to vector<1x21x8x512xi32>
    %eq3A_16 = arith.cmpi eq, %eq3A, %iota3A : vector<1x21x8x512xi32>
    %sub3A_17 = arith.constant 8.191500e+03 : f32
    %sub3A_18 = vector.broadcast %sub3A_17 : f32 to vector<1x21x8x512xf32>
    %sub3A_19 = arith.subf %sub3A_18, %mul3A_10 : vector<1x21x8x512xf32>
    %add3A = arith.constant 8.192000e+03 : f32
    %add3A_20 = vector.broadcast %add3A : f32 to vector<1x21x8x512xf32>
    %add3A_21 = arith.addf %mul3A_10, %add3A_20 : vector<1x21x8x512xf32>
    %select_n3A = arith.select %eq3A_16, %sub3A_19, %add3A_21 : vector<1x21x8x512xi1>, vector<1x21x8x512xf32>
    %convert_element_type3A = arith.fptosi %select_n3A : vector<1x21x8x512xf32> to vector<1x21x8x512xi32>
    %reshape3A = vector.shape_cast %convert_element_type3A : vector<1x21x8x512xi32> to vector<21x32x128xi32>
    %swap3A = arith.constant 0 : index
    %swap3A_22 = arith.constant 0 : index
    %swap3A_23 = arith.constant 0 : index
    %swap3A_24 = vector.load %arg4[%swap3A, %swap3A_22, %swap3A_23] : memref<21x32x128xi32, #tpu.memory_space<vmem>>, vector<21x32x128xi32>
    tpu.vector_store %arg4[%swap3A, %swap3A_22, %swap3A_23], %reshape3A {strides = array<i32>} : memref<21x32x128xi32, #tpu.memory_space<vmem>>, vector<21x32x128xi32>,
    return
  }
  func.func @transform_0(%arg0: i32, %arg1: i32) -> (i32, i32, i32, i32) {
    %c0_i32 = arith.constant 0 : i32
    %c0_i32_0 = arith.constant 0 : i32
    %c0_i32_1 = arith.constant 0 : i32
    return %arg0, %c0_i32, %arg1, %c0_i32_0 : i32, i32, i32, i32
  }
  func.func @transform_1(%arg0: i32, %arg1: i32) -> (i32, i32, i32) {
    %c0_i32 = arith.constant 0 : i32
    %c0_i32_0 = arith.constant 0 : i32
    return %arg0, %arg1, %c0_i32 : i32, i32, i32
  }
  func.func @transform_2(%arg0: i32, %arg1: i32) -> (i32, i32, i32) {
    %mul3A = arith.constant 64 : i32
    %mul3A_0 = arith.muli %arg0, %mul3A : i32
    %add3A = arith.addi %mul3A_0, %arg1 : i32
    %c0_i32 = arith.constant 0 : i32
    %c0_i32_1 = arith.constant 0 : i32
    %c0_i32_2 = arith.constant 0 : i32
    return %c0_i32, %add3A, %c0_i32_1 : i32, i32, i32
  }
}

module attributes {stable_mosaic.version = 14 : i64} {
  func.func @_finalize_body(%arg0: memref<84x2x64x128xf32, #tpu.memory_space<vmem>>, %arg1: memref<1x1xf32, #tpu.memory_space<vmem>>) attributes {dimension_semantics = [], scalar_prefetch = 0 : i64, scratch_operands = 0 : i64, tpu.core_type = #tpu.core_type<tc>} {
    %get3A = arith.constant 0 : index
    %get3A_0 = arith.constant 0 : index
    %get3A_1 = arith.constant 0 : index
    %get3A_2 = arith.constant 0 : index
    %get3A_3 = vector.load %arg0[%get3A, %get3A_0, %get3A_1, %get3A_2] : memref<84x2x64x128xf32, #tpu.memory_space<vmem>>, vector<84x2x64x128xf32>
    %reshape3A = vector.shape_cast %get3A_3 : vector<84x2x64x128xf32> to vector<21x4x2x64x128xf32>
    %reduce_sum3A = arith.constant dense<0.000000e+00> : vector<21x2x64x128xf32>
    %reduce_sum3A_4 = vector.multi_reduction <add>, %reshape3A, %reduce_sum3A [1] : vector<21x4x2x64x128xf32> to vector<21x2x64x128xf32>
    %slice3A = vector.extract_strided_slice %reduce_sum3A_4 {offsets = [0, 0, 0, 0], sizes = [21, 1, 64, 128], strides = [1, 1, 1, 1]} : vector<21x2x64x128xf32> to vector<21x1x64x128xf32>
    %squeeze3A = vector.shape_cast %slice3A : vector<21x1x64x128xf32> to vector<21x64x128xf32>
    %slice3A_5 = vector.extract_strided_slice %reduce_sum3A_4 {offsets = [0, 1, 0, 0], sizes = [21, 1, 64, 128], strides = [1, 1, 1, 1]} : vector<21x2x64x128xf32> to vector<21x1x64x128xf32>
    %squeeze3A_6 = vector.shape_cast %slice3A_5 : vector<21x1x64x128xf32> to vector<21x64x128xf32>
    %mul3A = arith.constant 6.10388815E-5 : f32
    %mul3A_7 = vector.broadcast %mul3A : f32 to vector<21x64x128xf32>
    %mul3A_8 = arith.mulf %squeeze3A, %mul3A_7 : vector<21x64x128xf32>
    %mul3A_9 = arith.constant 6.10388815E-5 : f32
    %mul3A_10 = vector.broadcast %mul3A_9 : f32 to vector<21x64x128xf32>
    %mul3A_11 = arith.mulf %squeeze3A_6, %mul3A_10 : vector<21x64x128xf32>
    %iota3A = tpu.iota {dimensions = array<i32: 0>} : vector<128x128xi32>
    %iota3A_12 = tpu.iota {dimensions = array<i32: 1>} : vector<128x128xi32>
    %le3A = arith.cmpi sle, %iota3A, %iota3A_12 : vector<128x128xi32>
    %convert_element_type3A = arith.extui %le3A : vector<128x128xi1> to vector<128x128xi32>
    %convert_element_type3A_13 = arith.sitofp %convert_element_type3A : vector<128x128xi32> to vector<128x128xf32>
    %iota3A_14 = tpu.iota {dimensions = array<i32: 0>} : vector<64x64xi32>
    %iota3A_15 = tpu.iota {dimensions = array<i32: 1>} : vector<64x64xi32>
    %lt3A = arith.cmpi slt, %iota3A_14, %iota3A_15 : vector<64x64xi32>
    %convert_element_type3A_16 = arith.extui %lt3A : vector<64x64xi1> to vector<64x64xi32>
    %convert_element_type3A_17 = arith.sitofp %convert_element_type3A_16 : vector<64x64xi32> to vector<64x64xf32>
    %reshape3A_18 = vector.shape_cast %squeeze3A : vector<21x64x128xf32> to vector<1344x128xf32>
    %dot_general3A = arith.constant dense<0.000000e+00> : vector<1344x128xf32>
    %dot_general3A_19 = tpu.matmul %reshape3A_18, %convert_element_type3A_13, %dot_general3A {dimension_numbers = #tpu.dot_dimension_numbers<[1], [0], [0], [1], [0, 0, 1, 1], [], []>, transpose_lhs_hint = false} : vector<1344x128xf32>, vector<128x128xf32>, vector<1344x128xf32> -> vector<1344x128xf32>
    %reshape3A_20 = vector.shape_cast %dot_general3A_19 : vector<1344x128xf32> to vector<21x64x128xf32>
    %reduce_sum3A_21 = arith.constant dense<0.000000e+00> : vector<21x64xf32>
    %reduce_sum3A_22 = vector.multi_reduction <add>, %squeeze3A, %reduce_sum3A_21 [2] : vector<21x64x128xf32> to vector<21x64xf32>
    %dot_general3A_23 = arith.constant dense<0.000000e+00> : vector<21x64xf32>
    %dot_general3A_24 = tpu.matmul %reduce_sum3A_22, %convert_element_type3A_17, %dot_general3A_23 {dimension_numbers = #tpu.dot_dimension_numbers<[1], [0], [0], [1], [0, 0, 1, 1], [], []>, transpose_lhs_hint = false} : vector<21x64xf32>, vector<64x64xf32>, vector<21x64xf32> -> vector<21x64xf32>
    %broadcast_in_dim3A = vector.shape_cast %dot_general3A_24 : vector<21x64xf32> to vector<21x64x1xf32>
    %add3A = vector.broadcast %broadcast_in_dim3A : vector<21x64x1xf32> to vector<21x64x128xf32>
    %add3A_25 = arith.addf %reshape3A_20, %add3A : vector<21x64x128xf32>
    %reshape3A_26 = vector.shape_cast %squeeze3A_6 : vector<21x64x128xf32> to vector<1344x128xf32>
    %dot_general3A_27 = arith.constant dense<0.000000e+00> : vector<1344x128xf32>
    %dot_general3A_28 = tpu.matmul %reshape3A_26, %convert_element_type3A_13, %dot_general3A_27 {dimension_numbers = #tpu.dot_dimension_numbers<[1], [0], [0], [1], [0, 0, 1, 1], [], []>, transpose_lhs_hint = false} : vector<1344x128xf32>, vector<128x128xf32>, vector<1344x128xf32> -> vector<1344x128xf32>
    %reshape3A_29 = vector.shape_cast %dot_general3A_28 : vector<1344x128xf32> to vector<21x64x128xf32>
    %reduce_sum3A_30 = arith.constant dense<0.000000e+00> : vector<21x64xf32>
    %reduce_sum3A_31 = vector.multi_reduction <add>, %squeeze3A_6, %reduce_sum3A_30 [2] : vector<21x64x128xf32> to vector<21x64xf32>
    %dot_general3A_32 = arith.constant dense<0.000000e+00> : vector<21x64xf32>
    %dot_general3A_33 = tpu.matmul %reduce_sum3A_31, %convert_element_type3A_17, %dot_general3A_32 {dimension_numbers = #tpu.dot_dimension_numbers<[1], [0], [0], [1], [0, 0, 1, 1], [], []>, transpose_lhs_hint = false} : vector<21x64xf32>, vector<64x64xf32>, vector<21x64xf32> -> vector<21x64xf32>
    %broadcast_in_dim3A_34 = vector.shape_cast %dot_general3A_33 : vector<21x64xf32> to vector<21x64x1xf32>
    %add3A_35 = vector.broadcast %broadcast_in_dim3A_34 : vector<21x64x1xf32> to vector<21x64x128xf32>
    %add3A_36 = arith.addf %reshape3A_29, %add3A_35 : vector<21x64x128xf32>
    %reduce_sum3A_37 = arith.constant dense<0.000000e+00> : vector<21x64xf32>
    %reduce_sum3A_38 = vector.multi_reduction <add>, %squeeze3A, %reduce_sum3A_37 [2] : vector<21x64x128xf32> to vector<21x64xf32>
    %reduce_sum3A_39 = arith.constant dense<0.000000e+00> : vector<21xf32>
    %reduce_sum3A_40 = vector.multi_reduction <add>, %reduce_sum3A_38, %reduce_sum3A_39 [1] : vector<21x64xf32> to vector<21xf32>
    %reduce_sum3A_41 = arith.constant dense<0.000000e+00> : vector<21x64xf32>
    %reduce_sum3A_42 = vector.multi_reduction <add>, %squeeze3A_6, %reduce_sum3A_41 [2] : vector<21x64x128xf32> to vector<21x64xf32>
    %reduce_sum3A_43 = arith.constant dense<0.000000e+00> : vector<21xf32>
    %reduce_sum3A_44 = vector.multi_reduction <add>, %reduce_sum3A_42, %reduce_sum3A_43 [1] : vector<21x64xf32> to vector<21xf32>
    %broadcast_in_dim3A_45 = vector.shape_cast %reduce_sum3A_40 : vector<21xf32> to vector<21x1x1xf32>
    %sub3A = vector.broadcast %broadcast_in_dim3A_45 : vector<21x1x1xf32> to vector<21x64x128xf32>
    %sub3A_46 = arith.subf %sub3A, %add3A_25 : vector<21x64x128xf32>
    %broadcast_in_dim3A_47 = vector.shape_cast %reduce_sum3A_44 : vector<21xf32> to vector<21x1x1xf32>
    %sub3A_48 = vector.broadcast %broadcast_in_dim3A_47 : vector<21x1x1xf32> to vector<21x64x128xf32>
    %sub3A_49 = arith.subf %sub3A_48, %add3A_36 : vector<21x64x128xf32>
    %add3A_50 = vector.broadcast %broadcast_in_dim3A_45 : vector<21x1x1xf32> to vector<21x64x128xf32>
    %add3A_51 = arith.addf %add3A_50, %sub3A_49 : vector<21x64x128xf32>
    %max3A = arith.constant 1.000000e+00 : f32
    %max3A_52 = vector.broadcast %max3A : f32 to vector<21x64x128xf32>
    %max3A_53 = arith.maximumf %add3A_51, %max3A_52 : vector<21x64x128xf32>
    %sub3A_54 = vector.broadcast %broadcast_in_dim3A_45 : vector<21x1x1xf32> to vector<21x64x128xf32>
    %sub3A_55 = arith.subf %sub3A_54, %sub3A_46 : vector<21x64x128xf32>
    %div3A = arith.constant 1.000000e+00 : f32
    %div3A_56 = vector.broadcast %div3A : f32 to vector<21x64x128xf32>
    %div3A_57 = arith.divf %div3A_56, %max3A_53 : vector<21x64x128xf32>
    %mul3A_58 = arith.constant 1.22077763E-4 : f32
    %mul3A_59 = vector.broadcast %mul3A_58 : f32 to vector<21x64x128xf32>
    %mul3A_60 = arith.mulf %sub3A_55, %mul3A_59 : vector<21x64x128xf32>
    %sub3A_61 = arith.subf %mul3A_60, %mul3A_8 : vector<21x64x128xf32>
    %mul3A_62 = arith.mulf %sub3A_61, %div3A_57 : vector<21x64x128xf32>
    %mul3A_63 = arith.mulf %sub3A_55, %mul3A_11 : vector<21x64x128xf32>
    %mul3A_64 = arith.mulf %mul3A_63, %div3A_57 : vector<21x64x128xf32>
    %mul3A_65 = arith.mulf %mul3A_64, %div3A_57 : vector<21x64x128xf32>
    %sub3A_66 = arith.subf %mul3A_62, %mul3A_65 : vector<21x64x128xf32>
    %mul3A_67 = arith.mulf %squeeze3A, %squeeze3A_6 : vector<21x64x128xf32>
    %mul3A_68 = arith.mulf %sub3A_55, %squeeze3A_6 : vector<21x64x128xf32>
    %mul3A_69 = arith.mulf %mul3A_68, %squeeze3A_6 : vector<21x64x128xf32>
    %mul3A_70 = arith.mulf %mul3A_69, %div3A_57 : vector<21x64x128xf32>
    %add3A_71 = arith.addf %mul3A_67, %mul3A_70 : vector<21x64x128xf32>
    %mul3A_72 = arith.constant 4.06925865E-5 : f32
    %mul3A_73 = vector.broadcast %mul3A_72 : f32 to vector<21x64x128xf32>
    %mul3A_74 = arith.mulf %add3A_71, %mul3A_73 : vector<21x64x128xf32>
    %mul3A_75 = arith.mulf %mul3A_74, %div3A_57 : vector<21x64x128xf32>
    %mul3A_76 = arith.mulf %mul3A_75, %div3A_57 : vector<21x64x128xf32>
    %add3A_77 = arith.addf %sub3A_66, %mul3A_76 : vector<21x64x128xf32>
    %reduce_sum3A_78 = arith.constant dense<0.000000e+00> : vector<21x64xf32>
    %reduce_sum3A_79 = vector.multi_reduction <add>, %add3A_77, %reduce_sum3A_78 [2] : vector<21x64x128xf32> to vector<21x64xf32>
    %reduce_sum3A_80 = arith.constant dense<0.000000e+00> : vector<21xf32>
    %reduce_sum3A_81 = vector.multi_reduction <add>, %reduce_sum3A_79, %reduce_sum3A_80 [1] : vector<21x64xf32> to vector<21xf32>
    %sub3A_82 = arith.constant 1.000000e+00 : f32
    %sub3A_83 = vector.broadcast %sub3A_82 : f32 to vector<21xf32>
    %sub3A_84 = arith.subf %sub3A_83, %reduce_sum3A_81 : vector<21xf32>
    %gt3A = arith.constant 5.000000e-01 : f32
    %gt3A_85 = vector.broadcast %gt3A : f32 to vector<21xf32>
    %gt3A_86 = arith.cmpf ogt, %reduce_sum3A_40, %gt3A_85 : vector<21xf32>
    %convert_element_type3A_87 = arith.extui %gt3A_86 : vector<21xi1> to vector<21xi32>
    %convert_element_type3A_88 = arith.sitofp %convert_element_type3A_87 : vector<21xi32> to vector<21xf32>
    %mul3A_89 = arith.mulf %sub3A_84, %convert_element_type3A_88 : vector<21xf32>
    %reduce_sum3A_90 = vector.shape_cast %mul3A_89 : vector<21xf32> to vector<1x21xf32>
    %reduce_sum3A_91 = arith.constant dense<0.000000e+00> : vector<1xf32>
    %reduce_sum3A_92 = vector.multi_reduction <add>, %reduce_sum3A_90, %reduce_sum3A_91 [1] : vector<1x21xf32> to vector<1xf32>
    %reduce_sum3A_93 = vector.shape_cast %reduce_sum3A_92 : vector<1xf32> to vector<1x1xf32>
    %reduce_sum3A_94 = vector.extract %reduce_sum3A_93[0, 0] : f32 from vector<1x1xf32>
    %reduce_sum3A_95 = vector.shape_cast %convert_element_type3A_88 : vector<21xf32> to vector<1x21xf32>
    %reduce_sum3A_96 = arith.constant dense<0.000000e+00> : vector<1xf32>
    %reduce_sum3A_97 = vector.multi_reduction <add>, %reduce_sum3A_95, %reduce_sum3A_96 [1] : vector<1x21xf32> to vector<1xf32>
    %reduce_sum3A_98 = vector.shape_cast %reduce_sum3A_97 : vector<1xf32> to vector<1x1xf32>
    %reduce_sum3A_99 = vector.extract %reduce_sum3A_98[0, 0] : f32 from vector<1x1xf32>
    %max3A_100 = arith.constant 1.000000e+00 : f32
    %max3A_101 = arith.maximumf %reduce_sum3A_99, %max3A_100 : f32
    %div3A_102 = arith.divf %reduce_sum3A_94, %max3A_101 : f32
    %reshape3A_103 = vector.broadcast %div3A_102 : f32 to vector<1x1xf32>
    %swap3A = arith.constant 0 : index
    %swap3A_104 = arith.constant 0 : index
    %swap3A_105 = vector.load %arg1[%swap3A, %swap3A_104] : memref<1x1xf32, #tpu.memory_space<vmem>>, vector<1x1xf32>
    tpu.vector_store %arg1[%swap3A, %swap3A_104], %reshape3A_103 {strides = array<i32>} : memref<1x1xf32, #tpu.memory_space<vmem>>, vector<1x1xf32>,
    return
  }
}

</mosaic_0001>

<sc_bundles>
// kernel: kernel.5.cloned.1.call-start
scs
__scs_entry_jumppad:
0x0: {  	(pc) =	sbr.rel $0x88, $3  }
0x1: {  	(tag) =	ssettag $0x0;
	lr =	simm.s32 $0x1  }
0x2: {  	[smem:$0x3F9F] =	sst lr;
	_ =	strace $0xD0000000  }
0x3: {  	_ = 	snop  }
0x4: {  	_ = 	snop  }
0x5: {  	_ = 	snop  }
0x6: {  	_ = 	snop  }
0x7: {  	_ = 	snop  }
__scs_overlays_trampoline_lowered:
0x8: {  	[smem:$0x3FAE] =	sst s0  }
0x9: {  	[smem:$0x3FAF] =	sst s1  }
0xa: {  	[smem:$0x3FB0] =	sst s2  }
0xb: {  	[smem:$0x3FB1] =	sst s3  }
0xc: {  	[smem:$0x3FB2] =	sst s4  }
0xd: {  	[smem:$0x3FB3] =	sst s5  }
0xe: {  	[smem:$0x3FB4] =	sst s6  }
0xf: {  	[smem:$0x3FB5] =	sst s7  }
0x10: {  	[smem:$0x3FB6] =	sst s8  }
0x11: {  	[smem:$0x3FB7] =	sst s9;
	s0 =	simm.s32 @!p0 $0x0  }
0x12: {  	s1 =	sld [smem:$0x3F9D];
	s0 =	simm.s32 @p0 $0x1  }
0x13: {  	[smem:$0x3FB8] =	sst s0;
	s0 =	simm.s32 @!p1 $0x0  }
0x14: {  	s2 =	sld [smem:$0x3F9C];
	s0 =	simm.s32 @p1 $0x1  }
0x15: {  	[smem:$0x3FB9] =	sst s0;
	s0 =	simm.s32 @!p2 $0x0  }
0x16: {  	s3 =	sld [smem:$0x3FDB];
	s0 =	simm.s32 @p2 $0x1  }
0x17: {  	s4 =	simm.s32 $0x1BF5;
	[smem:$0x3FBB] =	sst s0  }
0x18: {  	s0 =	sld [smem:$0x3F9E];
	_ =	swait.ge [sflag:s4], $0x0  }
0x19: {  	s7 =	sld [smem:$0x3F9F]  }
0x1a: {  	s8 =	sadd.s32 $0xFFFFE003, lr  }
0x1b: {  	s9 =	sadd.s32 $0xFFFFFEF7, lr;
	s5 =	simm.s32 $0xFFFFFFFF;
	p2 =	slt.u32 s8, $0xFFFFF086  }
0x1c: {  	p1 =	slt.u32 s9, $0xF7A;
	s5 =	simm.s32 @!p2 $0x0  }
0x1d: {  	s5 =	simm.s32 @p1 $0x1;
	p0 =	seq.s32 s7, s2  }
0x1e: {  	s7 =	smul.u32 @!p0 $0xF7A, s2;
	p2 =	seq.s32 @!p0 s5, $0x0  }
0x1f: {  	s9 =	smul.u32 $0xF7A, s1;
	s8 =	simm.s32 @!p0 $0x1BF5;
	p2 =	por !p2, p0  }
0x20: {  	[sflag:s8] =	ssyncset.s32 @!p0 $0xFFFFF086;
	s6 =	sadd.s32 @!p0 s3, s7;
	s7 =	simm.s32 @!p0 $0x108  }
0x21: {  	s3 =	sadd.s32 s3, s9;
	s6 =	sadd.s32 @!p0 $0x88, s6;
	s7 =	simm.s32 @p2 $0x1082  }
0x22: {  	[simem:s7], [sflag:s8] =	dma.local @!p0 [hbm:s6], $0xF7A  }
0x23: {  	s9 =	sor.u32 $0xD0000000, s2;
	s6 =	simm.s32 $0x108;
	_ =	swait.ge @!p0 [sflag:s8], $0x0  }
0x24: {  	s3 =	sadd.s32 $0x88, s3;
	s6 =	simm.s32 @!p1 $0x1082;
	[sflag:s4] =	ssyncset.s32 $0xFFFFF086  }
0x25: {  	[simem:s6], [sflag:s4] =	dma.local [hbm:s3], $0xF7A  }
0x26: {  	[smem:$0x3F9F] =	sst s1;
	(tag) =	ssettag s2;
	_ =	strace s9  }
0x27: {  	s1 =	sld [smem:$0x3FAF]  }
0x28: {  	s2 =	sld [smem:$0x3FB0]  }
0x29: {  	s4 =	sld [smem:$0x3FB2]  }
0x2a: {  	p0 =	seq.s32 s5, $0x0;
	s5 =	sld [smem:$0x3FB3]  }
0x2b: {  	s6 =	sld [smem:$0x3FB4]  }
0x2c: {  	s7 =	sld [smem:$0x3FB5]  }
0x2d: {  	s3 =	simm.s32 $0x108;
	s8 =	sld [smem:$0x3FB6]  }
0x2e: {  	s3 =	simm.s32 @!p0 $0x1082;
	s9 =	sld [smem:$0x3FB7]  }
0x2f: {  	lr =	sadd.s32 s0, s3;
	s0 =	sld [smem:$0x3FAE]  }
0x30: {  	s3 =	sld [smem:$0x3FB1]  }
0x31: {  	[smem:$0x3FBA] =	sst s10  }
0x32: {  	s10 =	sld [smem:$0x3FB8];
	_ =	sdelay $0x3  }
0x33: {  	p0 =	seq.s32 s10, $0x1;
	s10 =	sld [smem:$0x3FBA];
	_ =	sdelay $0x3  }
0x34: {  	[smem:$0x3FBA] =	sst s10  }
0x35: {  	s10 =	sld [smem:$0x3FB9];
	_ =	sdelay $0x3  }
0x36: {  	p1 =	seq.s32 s10, $0x1;
	s10 =	sld [smem:$0x3FBA];
	_ =	sdelay $0x3  }
0x37: {  	[smem:$0x3FBA] =	sst s10  }
0x38: {  	s10 =	sld [smem:$0x3FBB]  }
0x39: {  	_ = 	snop;
	(pc) =	sbr.ind lr, $3  }
0x3a: {  	_ = 	snop  }
0x3b: {  	_ = 	snop  }
0x3c: {  	p2 =	seq.s32 s10, $0x1;
	s10 =	sld [smem:$0x3FBA]  }
0x3d: {  	_ =	shalt  }
0x3e: {  	_ =	shalt  }
0x3f: {  	_ =	shalt  }
0x40: {  	_ =	shalt  }
0x41: {  	_ =	shalt  }
0x42: {  	_ =	shalt  }
0x43: {  	_ =	shalt  }
0x44: {  	_ =	shalt  }
0x45: {  	_ =	shalt  }
0x46: {  	_ =	shalt  }
0x47: {  	_ =	shalt  }
0x48: {  	_ =	shalt  }
0x49: {  	_ =	shalt  }
0x4a: {  	_ =	shalt  }
0x4b: {  	_ =	shalt  }
0x4c: {  	_ =	shalt  }
0x4d: {  	_ =	shalt  }
0x4e: {  	_ =	shalt  }
0x4f: {  	_ =	shalt  }
0x50: {  	_ =	shalt  }
0x51: {  	_ =	shalt  }
0x52: {  	_ =	shalt  }
0x53: {  	_ =	shalt  }
0x54: {  	_ =	shalt  }
0x55: {  	_ =	shalt  }
0x56: {  	_ =	shalt  }
0x57: {  	_ =	shalt  }
0x58: {  	_ =	shalt  }
0x59: {  	_ =	shalt  }
0x5a: {  	_ =	shalt  }
0x5b: {  	_ =	shalt  }
0x5c: {  	_ =	shalt  }
0x5d: {  	_ =	shalt  }
0x5e: {  	_ =	shalt  }
0x5f: {  	_ =	shalt  }
0x60: {  	_ =	shalt  }
0x61: {  	_ =	shalt  }
0x62: {  	_ =	shalt  }
0x63: {  	_ =	shalt  }
0x64: {  	_ =	shalt  }
0x65: {  	_ =	shalt  }
0x66: {  	_ =	shalt  }
0x67: {  	_ =	shalt  }
0x68: {  	_ =	shalt  }
0x69: {  	_ =	shalt  }
0x6a: {  	_ =	shalt  }
0x6b: {  	_ =	shalt  }
0x6c: {  	_ =	shalt  }
0x6d: {  	_ =	shalt  }
0x6e: {  	_ =	shalt  }
0x6f: {  	_ =	shalt  }
0x70: {  	_ =	shalt  }
0x71: {  	_ =	shalt  }
0x72: {  	_ =	shalt  }
0x73: {  	_ =	shalt  }
0x74: {  	_ =	shalt  }
0x75: {  	_ =	shalt  }
0x76: {  	_ =	shalt  }
0x77: {  	_ =	shalt  }
0x78: {  	_ =	shalt  }
0x79: {  	_ =	shalt  }
0x7a: {  	_ =	shalt  }
0x7b: {  	_ =	shalt  }
0x7c: {  	_ =	shalt  }
0x7d: {  	_ =	shalt  }
0x7e: {  	_ =	shalt  }
0x7f: {  	_ =	shalt  }
0x80: {  	_ =	shalt  }
0x81: {  	_ =	shalt  }
0x82: {  	_ =	shalt  }
0x83: {  	_ =	shalt  }
0x84: {  	_ =	shalt  }
0x85: {  	_ =	shalt  }
0x86: {  	_ =	shalt  }
0x87: {  	_ =	shalt  }
.Lfunc_end0:
.L_simem_size_0:
called_computation_lowered:
.L_overlay_start_0:
0x88: {  	s2 =	sld [smem:$0x3FD9]  }
0x89: {  	s3 =	sld [smem:$0x3FFE];
	_ =	sdelay $0x1  }
0x8a: {  	s1 =	srdreg.scid  }
0x8b: {  	s0 =	sand.u32 $0x1, s1  }
0x8c: {  	s16 =	sshll.u32 s0, $0xA;
	s2 =	sadd.s32 s3, s2  }
0x8d: {  	s2 =	sadd.s32 s2, s16  }
0x8e: {  	[smem:$0x3FC6] =	sst s2  }
0x8f: {  	_ = 	snop  }
0x90: {  	(tm) =	ssettm $0x1  }
0x91: {  	s17 =	sld [smem:$0x3FFB];
	_ =	sdelay $0x3  }
0x92: {  	_ =	strace s17  }
0x93: {  	s2 =	sld [smem:$0x3FFC];
	_ =	sdelay $0x3  }
0x94: {  	_ =	strace s2  }
0x95: {  	s2 =	sld [smem:$0x3FFD];
	_ =	sdelay $0x3  }
0x96: {  	_ =	strace s2  }
0x97: {  	_ =	strace $0x8FFFFFFF  }
0x98: {  	s18 =	sld [smem:$0x3FDB];
	_ =	sdelay $0x1  }
0x99: {  	s19 =	simm.s32 $_scs_section_size  }
0x9a: {  	s4 =	simm.s32 $_size__tile_overlayer_lowered;
	s5 =	simm.s32 $_tile_overlayer_lowered  }
0x9b: {  	s22 =	simm.s32 $0x1BFF;
	s21 =	sshll.u32 s5, $0x1;
	s2 =	sadd.s32 s19, s18  }
0x9c: {  	s6 =	simm.s32 $0x0;
	s20 =	sshll.u32 s4, $0x1;
	s4 =	sadd.s32 s21, s2  }
0x9d: {  	[timem:s6], [sflag:s22] =	dma.local [hbm:s4], s20  }
0x9e: {  	_ =	swait.ge [sflag:s22], s20  }
0x9f: {  	s3 =	ssub.s32 $0x0, s20;
	[sflag:s22] =	ssyncset.done $0x0  }
0xa0: {  	[sflag:s22] =	ssyncadd.s32 s3;
	_ =	sdelay $0x1  }
0xa1: {  	s23 =	simm.s32 $0x1B8B  }
0xa2: {  	_ =	swait.ge [sflag:s23], $0x1  }
0xa3: {  	[sflag:s23] =	ssyncset.done $0x0  }
0xa4: {  	s25 =	simm.s32 $0x1B8E;
	s24 =	sld [smem:$0x3FFE];
	[sflag:s23] =	ssyncadd.s32 $0xFFFFFFFF  }
0xa5: {  	s26 =	simm.s32 $execute0_lowered;
	[smem:$0x3FD2] =	sst s25  }
0xa6: {  	s4 =	sshll.u32 s26, $0x1;
	_ =	strace $0x80000046;
	[dreg:$0x1] =	wrdreg $0xFFFFFFFF  }
0xa7: {  	s28 =	simm.s32 $_size_execute0_lowered;
	s2 =	sadd.s32 s2, s4;
	[dreg:$0x0] =	wrdreg $0x0  }
0xa8: {  	s4 =	sshll.u32 s28, $0x1;
	[dreg:$0x2] =	wrdreg s2  }
0xa9: {  	[dreg:$0x3] =	wrdreg s4  }
0xaa: {  	[dreg:$0x4] =	wrdreg $0xC0  }
0xab: {  	_ =	task [dreg:s6], $0x5FFFF  }
0xac: {  	[dreg:$0x1] =	wrdreg $0xFFFFFFFF  }
0xad: {  	[dreg:$0x0] =	wrdreg $0x60  }
0xae: {  	[dreg:$0x2] =	wrdreg s24  }
0xaf: {  	[dreg:$0x3] =	wrdreg $0x9  }
0xb0: {  	_ =	task.clear_ibuf [dreg:s6], $0x4FFFF;
	_ =	strace $0x90000046  }
0xb1: {  	s29 =	simm.s32 $0x9;
	_ =	strace $0x80000048  }
0xb2: {  	_ =	swait.ge [sflag:s29], $0x1  }
0xb3: {  	[sflag:s29] =	ssyncadd.s32 $0xFFFFFFFF  }
0xb4: {  	_ =	strace $0x90000048  }
0xb5: {  	_ =	sfence  }
0xb6: {  	s30 =	sld [smem:$0x0];
	_ =	sdelay $0x2  }
0xb7: {  	s31 =	sshll.u32 s1, $0xD;
	s1 =	sshrl.u32 s1, $0x2  }
0xb8: {  	s3 =	sand.u32 $0x4000, s31;
	s1 =	sadd.s32 s1, s30  }
0xb9: {  	s0 =	sor.u32 s3, s0;
	s1 =	sshll.u32 s1, $0x11  }
0xba: {  	s0 =	sor.u32 s1, s0  }
0xbb: {  	s0 =	sadd.s32 $0x8F2B, s0  }
0xbc: {  	[sflag:s0] =	ssyncadd.remote.s32 $0x1  }
0xbd: {  	_ =	sfence.sel $0xFFFF  }
0xbe: {  	[dreg:$0x0] =	wrdreg $0xFFFFFFFF;
	(pc) =	sbr.abs _section_cstart, $3  }
0xbf: {  	[dreg:$0x1] =	wrdreg $0xFFFFFFFF  }
0xc0: {  	_ =	task.clear_ibuf [dreg:s6], $0x2FFFF;
	_ =	strace $0x9FFFFFFF  }
0xc1: {  	(tm) =	ssettm $0x7FFFFFFF  }
tec
execute0_lowered:
.L_overlay_start_1:
0x0: {  	(tag) =	ssettag $0x1  }
0x1: {  	s4 =	rddreg [dreg:$0x0]  }
0x2: {  	s0 =	rddreg [dreg:$0x1]  }
0x3: {  	s3 =	srdreg.scid;
	s1 =	stileid.u32  }
0x4: {  	s2 =	simm.s32 $0x0;
	s18 =	simm.s32 $0x6000;
	s19 =	simm.s32 $0x1  }
0x5: {  	s20 =	simm.s32 $0x2;
	s21 =	simm.s32 $0x3;
	s22 =	simm.s32 $0x0  }
0x6: {  	s5 =	sand.u32 $0x1, s3;
	s24 =	sshll.u32 s1, $0x1;
	[smem:$0x7FF] =	sst s2  }
0x7: {  	s8 =	sshll.u32 s1, $0x12;
	s3 =	sadd.s32 $0x800, s4;
	s15 =	sadd.s32 $0x150800, s4  }
0x8: {  	p0 =	sgt.u32 s1, $0x9;
	s7 =	sor.u32 s5, s24;
	_ =	strace $0x80000047  }
0x9: {  	s25 =	sand.u32 $0x380000, s8;
	s5 =	ssub.s32 $0x2, s5;
	s6 =	sshll.u32 s7, $0x11  }
0xa: {  	s26 =	sshrl.u32 s5, $0x1;
	s11 =	sor.u32 $0x20, s7;
	s17 =	sor.u32 $0x40, s7  }
0xb: {  	s9 =	sshll.u32 s7, $0xB;
	s10 =	sand.u32 $0x60000, s6;
	s16 =	ssub.s32 s5, s26  }
0xc: {  	s29 =	sshll.u32 s11, $0x11;
	s12 =	sshll.u32 s17, $0x11;
	s13 =	sshll.u32 s11, $0xB  }
0xd: {  	s17 =	sshll.u32 s17, $0xB;
	s4 =	sor.u32 s25, s10;
	s8 =	sand.u32 $0x780000, s29  }
0xe: {  	s12 =	sand.u32 $0xB80000, s12;
	s16 =	smax.u32 s16, $0x1;
	s28 =	sshrl.u32 s4, $0x3  }
.Ltmp0:
0xf: {  	s6 =	sor.u32 $0x4000, s4;
	s7 =	sor.u32 s10, s8;
	(pc) =	sbr.rel .LBB2_1-.Ltmp0, $4  }
0x10: {  	s8 =	sadd.s32 s15, s9;
	s10 =	sor.u32 s10, s12;
	s12 =	sadd.s32 s15, s13  }
0x11: {  	s15 =	sadd.s32 s15, s17;
	s17 =	simm.s32 $0x4000;
	s5 =	sadd.s32 s3, s28  }
0x12: {  	s30 =	sshrl.u32 s7, $0x3;
	s11 =	sor.u32 $0x4000, s7;
	s31 =	sshrl.u32 s10, $0x3  }
0x13: {  	v0 =	vimm.f32 $0.0e+00;
	v1 =	vimm.f32 $1.000000000e+00;
	s14 =	sor.u32 $0x4000, s10;
	s9 =	sadd.s32 s3, s30;
	s13 =	sadd.s32 s3, s31  }
.LBB2_27:
0x14: {  	s22 =	sadd.s32 $0x1, s22  }
0x15: {  	p1 =	sne.s32 s22, s16  }
.Ltmp1:
0x16: {  	_ = 	snop;
	(pc) =	sbr.rel @!p1 .LBB2_28-.Ltmp1, $1  }
0x17: {  	_ =	sdelay $0x3  }
.LBB2_1:
0x18: {  	[tilespmem:s17], [sflag:$0x1] =	stream.linear.gather [hbm4b:s5+s2], $0x2000, $0x38;
	[tilespmem:$0x8000] =	vst v63  }
0x19: {  	s23 =	simm.s32 $0x40  }
0x1a: {  	[tilespmem:s23+$0xFFFFFFC0] =	vst v0  }
0x1b: {  	[tilespmem:s23+$0x30] =	vst v0  }
0x1c: {  	[tilespmem:s23+$0x20] =	vst v0  }
0x1d: {  	[tilespmem:s23+$0x10] =	vst v0  }
0x1e: {  	[tilespmem:s23+$0x0] =	vst v0  }
0x1f: {  	[tilespmem:s23+$0xFFFFFFF0] =	vst v0  }
0x20: {  	s24 =	simm.s32 $0x0;
	[tilespmem:s23+$0xFFFFFFE0] =	vst v0  }
.LBB2_2:
0x21: {  	s24 =	sadd.s32 $0x8, s24;
	[tilespmem:s23+$0xFFFFFFD0] =	vst v0;
	s23 =	sadd.s32 $0x80, s23  }
0x22: {  	[tilespmem:s23+$0xFFFFFFC0] =	vst v0;
	p1 =	slt.u32 s24, $0x3F8  }
0x23: {  	[tilespmem:s23+$0x30] =	vst v0  }
.Ltmp2:
0x24: {  	[tilespmem:s23+$0x20] =	vst v0;
	(pc) =	sbr.rel @p1 .LBB2_2-.Ltmp2, $4  }
0x25: {  	[tilespmem:s23+$0x10] =	vst v0  }
0x26: {  	[tilespmem:s23+$0x0] =	vst v0  }
0x27: {  	[tilespmem:s23+$0xFFFFFFF0] =	vst v0  }
0x28: {  	[tilespmem:s23+$0xFFFFFFE0] =	vst v0  }
0x29: {  	[tilespmem:s23+$0xFFFFFFD0] =	vst v0;
	s23 =	simm.s32 $0x0  }
.LBB2_4:
0x2a: {  	s24 =	sshll.u32 s23, $0xE  }
0x2b: {  	s25 =	sor.u32 s24, s4  }
0x2c: {  	s25 =	sshrl.u32 s25, $0x3  }
0x2d: {  	s25 =	sadd.s32 s25, s3  }
0x2e: {  	s25 =	sadd.s32 $0x400, s25  }
0x2f: {  	[tilespmem:s18], [sflag:$0x2] =	stream.linear.gather [hbm4b:s25+s2], $0x2000, $0x38;
	[tilespmem:$0x8000] =	vst v63  }
0x30: {  	_ =	swait.ge [sflag:s19], $0x2000  }
0x31: {  	[sflag:s19] =	ssyncset.done $0x0  }
0x32: {  	s25 =	simm.s32 $0x4080;
	[sflag:s19] =	ssyncadd.s32 $0xFFFFE000  }
0x33: {  	v2 =	vld [tilespmem:s25+$0x0];
	_ =	sdelay $0x3  }
0x34: {  	v3 =	vld [tilespmem:s25+$0xFFFFFF80];
	_ =	sdelay $0x3  }
0x35: {  	[tilespmem:v2+s2+$0x0] =	vst.idx.add.f32.msk $0xffff, v1  }
0x36: {  	v2 =	vld [tilespmem:s25+$0x10];
	_ =	sdelay $0x2  }
0x37: {  	[tilespmem:v3+s2+$0x0] =	vst.idx.add.f32.msk $0xffff, v1  }
0x38: {  	v3 =	vld [tilespmem:s25+$0xFFFFFF90];
	_ =	sdelay $0x3  }
0x39: {  	[tilespmem:v2+s2+$0x0] =	vst.idx.add.f32.msk $0xffff, v1  }
0x3a: {  	v2 =	vld [tilespmem:s25+$0x20];
	_ =	sdelay $0x2  }
0x3b: {  	[tilespmem:v3+s2+$0x0] =	vst.idx.add.f32.msk $0xffff, v1  }
0x3c: {  	v3 =	vld [tilespmem:s25+$0xFFFFFFA0];
	_ =	sdelay $0x3  }
0x3d: {  	[tilespmem:v2+s2+$0x0] =	vst.idx.add.f32.msk $0xffff, v1  }
0x3e: {  	v2 =	vld [tilespmem:s25+$0x30]  }
0x3f: {  	s26 =	simm.s32 $0x4180  }
0x40: {  	v4 =	vld [tilespmem:s26+$0x0]  }
0x41: {  	[tilespmem:v3+s2+$0x0] =	vst.idx.add.f32.msk $0xffff, v1  }
0x42: {  	v3 =	vld [tilespmem:s25+$0xFFFFFFB0];
	_ =	sdelay $0x2  }
0x43: {  	v5 =	vld [tilespmem:s26+$0xFFFFFF80]  }
0x44: {  	[tilespmem:v2+s2+$0x0] =	vst.idx.add.f32.msk $0xffff, v1  }
0x45: {  	v2 =	vld [tilespmem:s25+$0x40]  }
0x46: {  	[tilespmem:v4+s2+$0x0] =	vst.idx.add.f32.msk $0xffff, v1  }
0x47: {  	v4 =	vld [tilespmem:s26+$0x10]  }
0x48: {  	[tilespmem:v3+s2+$0x0] =	vst.idx.add.f32.msk $0xffff, v1  }
0x49: {  	v3 =	vld [tilespmem:s25+$0xFFFFFFC0];
	_ =	sdelay $0x1  }
0x4a: {  	[tilespmem:v5+s2+$0x0] =	vst.idx.add.f32.msk $0xffff, v1  }
0x4b: {  	v5 =	vld [tilespmem:s26+$0xFFFFFF90]  }
0x4c: {  	[tilespmem:v2+s2+$0x0] =	vst.idx.add.f32.msk $0xffff, v1  }
0x4d: {  	v2 =	vld [tilespmem:s25+$0x50]  }
0x4e: {  	[tilespmem:v4+s2+$0x0] =	vst.idx.add.f32.msk $0xffff, v1  }
0x4f: {  	v4 =	vld [tilespmem:s26+$0x20]  }
0x50: {  	[tilespmem:v3+s2+$0x0] =	vst.idx.add.f32.msk $0xffff, v1  }
0x51: {  	v3 =	vld [tilespmem:s25+$0xFFFFFFD0];
	_ =	sdelay $0x1  }
0x52: {  	[tilespmem:v5+s2+$0x0] =	vst.idx.add.f32.msk $0xffff, v1  }
0x53: {  	v5 =	vld [tilespmem:s26+$0xFFFFFFA0]  }
0x54: {  	[tilespmem:v2+s2+$0x0] =	vst.idx.add.f32.msk $0xffff, v1  }
0x55: {  	v6 =	vld [tilespmem:s25+$0x60];
	_ =	sdelay $0x1  }
0x56: {  	[tilespmem:v4+s2+$0x0] =	vst.idx.add.f32.msk $0xffff, v1  }
0x57: {  	[tilespmem:v3+s2+$0x0] =	vst.idx.add.f32.msk $0xffff, v1  }
0x58: {  	v2 =	vld [tilespmem:s25+$0xFFFFFFE0]  }
0x59: {  	v4 =	vld [tilespmem:s26+$0x30]  }
0x5a: {  	[tilespmem:v5+s2+$0x0] =	vst.idx.add.f32.msk $0xffff, v1  }
0x5b: {  	v5 =	vld [tilespmem:s26+$0xFFFFFFB0]  }
0x5c: {  	[tilespmem:v6+s2+$0x0] =	vst.idx.add.f32.msk $0xffff, v1  }
0x5d: {  	s28 =	simm.s32 $0x2;
	s29 =	simm.s32 $0x4280;
	v3 =	vld [tilespmem:s25+$0x70]  }
.LBB2_5:
0x5e: {  	v6 =	vld [tilespmem:s29+$0x0];
	s28 =	sadd.s32 $0x2, s28  }
0x5f: {  	v7 =	vld [tilespmem:s29+$0xFFFFFF80];
	p1 =	slt.u32 s28, $0x3E  }
0x60: {  	[tilespmem:v2+s2+$0x0] =	vst.idx.add.f32.msk $0xffff, v1  }
0x61: {  	[tilespmem:v4+s2+$0x0] =	vst.idx.add.f32.msk $0xffff, v1  }
0x62: {  	v2 =	vld [tilespmem:s26+$0x40]  }
0x63: {  	[tilespmem:v5+s2+$0x0] =	vst.idx.add.f32.msk $0xffff, v1  }
0x64: {  	v4 =	vld [tilespmem:s26+$0xFFFFFFC0]  }
0x65: {  	[tilespmem:v3+s2+$0x0] =	vst.idx.add.f32.msk $0xffff, v1  }
0x66: {  	[tilespmem:v6+s2+$0x0] =	vst.idx.add.f32.msk $0xffff, v1  }
0x67: {  	v3 =	vld [tilespmem:s29+$0x10]  }
0x68: {  	[tilespmem:v7+s2+$0x0] =	vst.idx.add.f32.msk $0xffff, v1  }
0x69: {  	v5 =	vld [tilespmem:s29+$0xFFFFFF90]  }
0x6a: {  	[tilespmem:v2+s2+$0x0] =	vst.idx.add.f32.msk $0xffff, v1  }
0x6b: {  	v2 =	vld [tilespmem:s26+$0x50]  }
0x6c: {  	[tilespmem:v4+s2+$0x0] =	vst.idx.add.f32.msk $0xffff, v1  }
0x6d: {  	v4 =	vld [tilespmem:s26+$0xFFFFFFD0]  }
0x6e: {  	v6 =	vld [tilespmem:s25+$0xFFFFFFF0];
	s25 =	smov.u32 s26;
	s26 =	smov.u32 s29  }
0x6f: {  	[tilespmem:v3+s2+$0x0] =	vst.idx.add.f32.msk $0xffff, v1  }
0x70: {  	v3 =	vld [tilespmem:s29+$0x20]  }
0x71: {  	[tilespmem:v5+s2+$0x0] =	vst.idx.add.f32.msk $0xffff, v1  }
0x72: {  	v5 =	vld [tilespmem:s29+$0xFFFFFFA0]  }
0x73: {  	[tilespmem:v2+s2+$0x0] =	vst.idx.add.f32.msk $0xffff, v1  }
0x74: {  	v7 =	vld [tilespmem:s25+$0x60]  }
0x75: {  	[tilespmem:v4+s2+$0x0] =	vst.idx.add.f32.msk $0xffff, v1  }
0x76: {  	v2 =	vld [tilespmem:s25+$0xFFFFFFE0]  }
0x77: {  	[tilespmem:v6+s2+$0x0] =	vst.idx.add.f32.msk $0xffff, v1  }
0x78: {  	[tilespmem:v3+s2+$0x0] =	vst.idx.add.f32.msk $0xffff, v1  }
.Ltmp3:
0x79: {  	v4 =	vld [tilespmem:s29+$0x30];
	(pc) =	sbr.rel @p1 .LBB2_5-.Ltmp3, $4  }
0x7a: {  	[tilespmem:v5+s2+$0x0] =	vst.idx.add.f32.msk $0xffff, v1  }
0x7b: {  	v5 =	vld [tilespmem:s29+$0xFFFFFFB0]  }
0x7c: {  	[tilespmem:v7+s2+$0x0] =	vst.idx.add.f32.msk $0xffff, v1  }
0x7d: {  	s29 =	sadd.s32 $0x100, s29;
	v3 =	vld [tilespmem:s25+$0x70]  }
0x7e: {  	_ =	sdelay $0x3  }
0x7f: {  	[tilespmem:v4+s2+$0x0] =	vst.idx.add.f32.msk $0xffff, v1  }
0x80: {  	v4 =	vld [tilespmem:s26+$0x40]  }
0x81: {  	[tilespmem:v5+s2+$0x0] =	vst.idx.add.f32.msk $0xffff, v1  }
0x82: {  	v5 =	vld [tilespmem:s26+$0xFFFFFFC0];
	_ =	sdelay $0x5  }
0x83: {  	[tilespmem:v4+s2+$0x0] =	vst.idx.add.f32.msk $0xffff, v1  }
0x84: {  	v4 =	vld [tilespmem:s26+$0x50]  }
0x85: {  	[tilespmem:v5+s2+$0x0] =	vst.idx.add.f32.msk $0xffff, v1  }
0x86: {  	v5 =	vld [tilespmem:s26+$0xFFFFFFD0];
	_ =	sdelay $0x5  }
0x87: {  	[tilespmem:v4+s2+$0x0] =	vst.idx.add.f32.msk $0xffff, v1  }
0x88: {  	v4 =	vld [tilespmem:s26+$0x60]  }
0x89: {  	[tilespmem:v5+s2+$0x0] =	vst.idx.add.f32.msk $0xffff, v1  }
0x8a: {  	v5 =	vld [tilespmem:s26+$0xFFFFFFE0];
	_ =	sdelay $0x3  }
0x8b: {  	[tilespmem:v2+s2+$0x0] =	vst.idx.add.f32.msk $0xffff, v1  }
0x8c: {  	v2 =	vld [tilespmem:s25+$0xFFFFFFF0]  }
0x8d: {  	[tilespmem:v4+s2+$0x0] =	vst.idx.add.f32.msk $0xffff, v1  }
0x8e: {  	v4 =	vld [tilespmem:s26+$0x70]  }
0x8f: {  	[tilespmem:v5+s2+$0x0] =	vst.idx.add.f32.msk $0xffff, v1  }
0x90: {  	v5 =	vld [tilespmem:s26+$0xFFFFFFF0];
	_ =	sdelay $0x4  }
0x91: {  	p1 =	seq.s32 s23, $0x7;
	[tilespmem:v3+s2+$0x0] =	vst.idx.add.f32.msk $0xffff, v1  }
0x92: {  	s24 =	sadd.s32 @!p1 s24, s6;
	[tilespmem:v2+s2+$0x0] =	vst.idx.add.f32.msk $0xffff, v1  }
0x93: {  	s24 =	sshrl.u32 @!p1 s24, $0x3;
	[tilespmem:v4+s2+$0x0] =	vst.idx.add.f32.msk $0xffff, v1  }
0x94: {  	s25 =	simm.s32 @!p1 $0x0;
	s24 =	sadd.s32 @!p1 s3, s24;
	s26 =	simm.s32 @!p1 $0x4000;
	[tilespmem:v5+s2+$0x0] =	vst.idx.add.f32.msk $0xffff, v1  }
0x95: {  	[tilespmem:s26], [sflag:$0x1] =	stream.linear.gather @!p1 [hbm4b:s24+s25], $0x2000, $0x38;
	[tilespmem:$0x8000] =	vst v63  }
0x96: {  	_ =	swait.ge [sflag:s20], $0x2000  }
0x97: {  	[sflag:s20] =	ssyncset.done $0x0  }
0x98: {  	s24 =	simm.s32 $0x60F0;
	[sflag:s20] =	ssyncadd.s32 $0xFFFFE000  }
0x99: {  	v2 =	vld [tilespmem:s24+$0xFFFFFF90];
	_ =	sdelay $0x3  }
0x9a: {  	v3 =	vld [tilespmem:s24+$0xFFFFFF10];
	_ =	sdelay $0x3  }
0x9b: {  	[tilespmem:v2+s2+$0x0] =	vst.idx.add.f32.msk $0xffff, v1  }
0x9c: {  	v2 =	vld [tilespmem:s24+$0xFFFFFFA0];
	_ =	sdelay $0x2  }
0x9d: {  	[tilespmem:v3+s2+$0x0] =	vst.idx.add.f32.msk $0xffff, v1  }
0x9e: {  	v3 =	vld [tilespmem:s24+$0xFFFFFF20];
	_ =	sdelay $0x3  }
0x9f: {  	[tilespmem:v2+s2+$0x0] =	vst.idx.add.f32.msk $0xffff, v1  }
0xa0: {  	v2 =	vld [tilespmem:s24+$0xFFFFFFB0];
	_ =	sdelay $0x2  }
0xa1: {  	[tilespmem:v3+s2+$0x0] =	vst.idx.add.f32.msk $0xffff, v1  }
0xa2: {  	v3 =	vld [tilespmem:s24+$0xFFFFFF30];
	_ =	sdelay $0x3  }
0xa3: {  	[tilespmem:v2+s2+$0x0] =	vst.idx.add.f32.msk $0xffff, v1  }
0xa4: {  	v2 =	vld [tilespmem:s24+$0xFFFFFFC0]  }
0xa5: {  	s25 =	simm.s32 $0x61F0  }
0xa6: {  	v4 =	vld [tilespmem:s25+$0xFFFFFF90]  }
0xa7: {  	[tilespmem:v3+s2+$0x0] =	vst.idx.add.f32.msk $0xffff, v1  }
0xa8: {  	v3 =	vld [tilespmem:s24+$0xFFFFFF40];
	_ =	sdelay $0x2  }
0xa9: {  	v5 =	vld [tilespmem:s25+$0xFFFFFF10]  }
0xaa: {  	[tilespmem:v2+s2+$0x0] =	vst.idx.add.f32.msk $0xffff, v1  }
0xab: {  	v2 =	vld [tilespmem:s24+$0xFFFFFFD0]  }
0xac: {  	[tilespmem:v4+s2+$0x0] =	vst.idx.add.f32.msk $0xffff, v1  }
0xad: {  	v4 =	vld [tilespmem:s25+$0xFFFFFFA0]  }
0xae: {  	[tilespmem:v3+s2+$0x0] =	vst.idx.add.f32.msk $0xffff, v1  }
0xaf: {  	v3 =	vld [tilespmem:s24+$0xFFFFFF50];
	_ =	sdelay $0x1  }
0xb0: {  	[tilespmem:v5+s2+$0x0] =	vst.idx.add.f32.msk $0xffff, v1  }
0xb1: {  	v5 =	vld [tilespmem:s25+$0xFFFFFF20]  }
0xb2: {  	[tilespmem:v2+s2+$0x0] =	vst.idx.add.f32.msk $0xffff, v1  }
0xb3: {  	v2 =	vld [tilespmem:s24+$0xFFFFFFE0]  }
0xb4: {  	[tilespmem:v4+s2+$0x0] =	vst.idx.add.f32.msk $0xffff, v1  }
0xb5: {  	v4 =	vld [tilespmem:s25+$0xFFFFFFB0]  }
0xb6: {  	[tilespmem:v3+s2+$0x0] =	vst.idx.add.f32.msk $0xffff, v1  }
0xb7: {  	v3 =	vld [tilespmem:s24+$0xFFFFFF60];
	_ =	sdelay $0x1  }
0xb8: {  	[tilespmem:v5+s2+$0x0] =	vst.idx.add.f32.msk $0xffff, v1  }
0xb9: {  	v5 =	vld [tilespmem:s25+$0xFFFFFF30]  }
0xba: {  	[tilespmem:v2+s2+$0x0] =	vst.idx.add.f32.msk $0xffff, v1  }
0xbb: {  	v6 =	vld [tilespmem:s24+$0xFFFFFFF0];
	_ =	sdelay $0x1  }
0xbc: {  	[tilespmem:v4+s2+$0x0] =	vst.idx.add.f32.msk $0xffff, v1  }
0xbd: {  	[tilespmem:v3+s2+$0x0] =	vst.idx.add.f32.msk $0xffff, v1  }
0xbe: {  	v2 =	vld [tilespmem:s24+$0xFFFFFF70]  }
0xbf: {  	v4 =	vld [tilespmem:s25+$0xFFFFFFC0]  }
0xc0: {  	[tilespmem:v5+s2+$0x0] =	vst.idx.add.f32.msk $0xffff, v1  }
0xc1: {  	v5 =	vld [tilespmem:s25+$0xFFFFFF40]  }
0xc2: {  	[tilespmem:v6+s2+$0x0] =	vst.idx.add.f32.msk $0xffff, v1  }
0xc3: {  	s28 =	simm.s32 $0x62F0;
	s26 =	simm.s32 $0x2;
	v3 =	vld [tilespmem:s24+$0x0]  }
.LBB2_7:
0xc4: {  	v6 =	vld [tilespmem:s28+$0xFFFFFF90];
	s26 =	sadd.s32 $0x2, s26  }
0xc5: {  	v7 =	vld [tilespmem:s28+$0xFFFFFF10];
	p1 =	slt.u32 s26, $0x3E  }
0xc6: {  	[tilespmem:v2+s2+$0x0] =	vst.idx.add.f32.msk $0xffff, v1  }
0xc7: {  	[tilespmem:v4+s2+$0x0] =	vst.idx.add.f32.msk $0xffff, v1  }
0xc8: {  	v2 =	vld [tilespmem:s25+$0xFFFFFFD0]  }
0xc9: {  	[tilespmem:v5+s2+$0x0] =	vst.idx.add.f32.msk $0xffff, v1  }
0xca: {  	v4 =	vld [tilespmem:s25+$0xFFFFFF50]  }
0xcb: {  	[tilespmem:v3+s2+$0x0] =	vst.idx.add.f32.msk $0xffff, v1  }
0xcc: {  	[tilespmem:v6+s2+$0x0] =	vst.idx.add.f32.msk $0xffff, v1  }
0xcd: {  	v3 =	vld [tilespmem:s28+$0xFFFFFFA0]  }
0xce: {  	[tilespmem:v7+s2+$0x0] =	vst.idx.add.f32.msk $0xffff, v1  }
0xcf: {  	v5 =	vld [tilespmem:s28+$0xFFFFFF20]  }
0xd0: {  	[tilespmem:v2+s2+$0x0] =	vst.idx.add.f32.msk $0xffff, v1  }
0xd1: {  	v2 =	vld [tilespmem:s25+$0xFFFFFFE0]  }
0xd2: {  	[tilespmem:v4+s2+$0x0] =	vst.idx.add.f32.msk $0xffff, v1  }
0xd3: {  	v4 =	vld [tilespmem:s25+$0xFFFFFF60]  }
0xd4: {  	v6 =	vld [tilespmem:s24+$0xFFFFFF80];
	s24 =	smov.u32 s25;
	s25 =	smov.u32 s28  }
0xd5: {  	[tilespmem:v3+s2+$0x0] =	vst.idx.add.f32.msk $0xffff, v1  }
0xd6: {  	v3 =	vld [tilespmem:s28+$0xFFFFFFB0]  }
0xd7: {  	[tilespmem:v5+s2+$0x0] =	vst.idx.add.f32.msk $0xffff, v1  }
0xd8: {  	v5 =	vld [tilespmem:s28+$0xFFFFFF30]  }
0xd9: {  	[tilespmem:v2+s2+$0x0] =	vst.idx.add.f32.msk $0xffff, v1  }
0xda: {  	v7 =	vld [tilespmem:s24+$0xFFFFFFF0]  }
0xdb: {  	[tilespmem:v4+s2+$0x0] =	vst.idx.add.f32.msk $0xffff, v1  }
0xdc: {  	v2 =	vld [tilespmem:s24+$0xFFFFFF70]  }
0xdd: {  	[tilespmem:v6+s2+$0x0] =	vst.idx.add.f32.msk $0xffff, v1  }
0xde: {  	[tilespmem:v3+s2+$0x0] =	vst.idx.add.f32.msk $0xffff, v1  }
.Ltmp4:
0xdf: {  	v4 =	vld [tilespmem:s28+$0xFFFFFFC0];
	(pc) =	sbr.rel @p1 .LBB2_7-.Ltmp4, $4  }
0xe0: {  	[tilespmem:v5+s2+$0x0] =	vst.idx.add.f32.msk $0xffff, v1  }
0xe1: {  	v5 =	vld [tilespmem:s28+$0xFFFFFF40]  }
0xe2: {  	[tilespmem:v7+s2+$0x0] =	vst.idx.add.f32.msk $0xffff, v1  }
0xe3: {  	s28 =	sadd.s32 $0x100, s28;
	v3 =	vld [tilespmem:s24+$0x0]  }
0xe4: {  	_ =	sdelay $0x3  }
0xe5: {  	[tilespmem:v4+s2+$0x0] =	vst.idx.add.f32.msk $0xffff, v1  }
0xe6: {  	v4 =	vld [tilespmem:s25+$0xFFFFFFD0]  }
0xe7: {  	[tilespmem:v5+s2+$0x0] =	vst.idx.add.f32.msk $0xffff, v1  }
0xe8: {  	v5 =	vld [tilespmem:s25+$0xFFFFFF50];
	_ =	sdelay $0x5  }
0xe9: {  	[tilespmem:v4+s2+$0x0] =	vst.idx.add.f32.msk $0xffff, v1  }
0xea: {  	v4 =	vld [tilespmem:s25+$0xFFFFFFE0]  }
0xeb: {  	[tilespmem:v5+s2+$0x0] =	vst.idx.add.f32.msk $0xffff, v1  }
0xec: {  	v5 =	vld [tilespmem:s25+$0xFFFFFF60];
	_ =	sdelay $0x5  }
0xed: {  	[tilespmem:v4+s2+$0x0] =	vst.idx.add.f32.msk $0xffff, v1  }
0xee: {  	v4 =	vld [tilespmem:s25+$0xFFFFFFF0]  }
0xef: {  	[tilespmem:v5+s2+$0x0] =	vst.idx.add.f32.msk $0xffff, v1  }
0xf0: {  	v5 =	vld [tilespmem:s25+$0xFFFFFF70];
	_ =	sdelay $0x3  }
0xf1: {  	[tilespmem:v2+s2+$0x0] =	vst.idx.add.f32.msk $0xffff, v1  }
0xf2: {  	v2 =	vld [tilespmem:s24+$0xFFFFFF80]  }
0xf3: {  	[tilespmem:v4+s2+$0x0] =	vst.idx.add.f32.msk $0xffff, v1  }
0xf4: {  	v4 =	vld [tilespmem:s25+$0x0]  }
0xf5: {  	[tilespmem:v5+s2+$0x0] =	vst.idx.add.f32.msk $0xffff, v1  }
0xf6: {  	v5 =	vld [tilespmem:s25+$0xFFFFFF80];
	_ =	sdelay $0x1  }
0xf7: {  	s23 =	sadd.s32 $0x1, s23  }
0xf8: {  	p1 =	sne.s32 s23, $0x8  }
.Ltmp5:
0xf9: {  	_ = 	snop;
	(pc) =	sbr.rel @p1 .LBB2_4-.Ltmp5, $4  }
0xfa: {  	[tilespmem:v3+s2+$0x0] =	vst.idx.add.f32.msk $0xffff, v1  }
0xfb: {  	[tilespmem:v2+s2+$0x0] =	vst.idx.add.f32.msk $0xffff, v1  }
0xfc: {  	[tilespmem:v4+s2+$0x0] =	vst.idx.add.f32.msk $0xffff, v1  }
0xfd: {  	[tilespmem:v5+s2+$0x0] =	vst.idx.add.f32.msk $0xffff, v1  }
0xfe: {  	[hbm4b:s8+s2] =	stream.linear.scatter [tilespmem:s2], [sflag:$0x3], $0x4000, $0x38;
	[tilespmem:$0x8000] =	vst v63  }
0xff: {  	_ =	swait.ge [sflag:s21], $0x4000  }
0x100: {  	[sflag:s21] =	ssyncset.done $0x0  }
0x101: {  	s23 =	simm.s32 $0x40;
	[sflag:s21] =	ssyncadd.s32 $0xFFFFC000  }
0x102: {  	[tilespmem:s17], [sflag:$0x1] =	stream.linear.gather [hbm4b:s9+s2], $0x2000, $0x38;
	[tilespmem:$0x8000] =	vst v63  }
0x103: {  	[tilespmem:s23+$0xFFFFFFC0] =	vst v0  }
0x104: {  	[tilespmem:s23+$0x30] =	vst v0  }
0x105: {  	[tilespmem:s23+$0x20] =	vst v0  }
0x106: {  	[tilespmem:s23+$0x10] =	vst v0  }
0x107: {  	[tilespmem:s23+$0x0] =	vst v0  }
0x108: {  	[tilespmem:s23+$0xFFFFFFF0] =	vst v0  }
0x109: {  	s24 =	simm.s32 $0x0;
	[tilespmem:s23+$0xFFFFFFE0] =	vst v0  }
.LBB2_10:
0x10a: {  	s24 =	sadd.s32 $0x8, s24;
	[tilespmem:s23+$0xFFFFFFD0] =	vst v0;
	s23 =	sadd.s32 $0x80, s23  }
0x10b: {  	[tilespmem:s23+$0xFFFFFFC0] =	vst v0;
	p1 =	slt.u32 s24, $0x3F8  }
0x10c: {  	[tilespmem:s23+$0x30] =	vst v0  }
.Ltmp6:
0x10d: {  	[tilespmem:s23+$0x20] =	vst v0;
	(pc) =	sbr.rel @p1 .LBB2_10-.Ltmp6, $4  }
0x10e: {  	[tilespmem:s23+$0x10] =	vst v0  }
0x10f: {  	[tilespmem:s23+$0x0] =	vst v0  }
0x110: {  	[tilespmem:s23+$0xFFFFFFF0] =	vst v0  }
0x111: {  	[tilespmem:s23+$0xFFFFFFE0] =	vst v0  }
0x112: {  	[tilespmem:s23+$0xFFFFFFD0] =	vst v0;
	s23 =	simm.s32 $0x0  }
.LBB2_12:
0x113: {  	s24 =	sshll.u32 s23, $0xE  }
0x114: {  	s25 =	sor.u32 s24, s7  }
0x115: {  	s25 =	sshrl.u32 s25, $0x3  }
0x116: {  	s25 =	sadd.s32 s25, s3  }
0x117: {  	s25 =	sadd.s32 $0x400, s25  }
0x118: {  	[tilespmem:s18], [sflag:$0x2] =	stream.linear.gather [hbm4b:s25+s2], $0x2000, $0x38;
	[tilespmem:$0x8000] =	vst v63  }
0x119: {  	_ =	swait.ge [sflag:s19], $0x2000  }
0x11a: {  	[sflag:s19] =	ssyncset.done $0x0  }
0x11b: {  	s25 =	simm.s32 $0x4080;
	[sflag:s19] =	ssyncadd.s32 $0xFFFFE000  }
0x11c: {  	v2 =	vld [tilespmem:s25+$0x0];
	_ =	sdelay $0x3  }
0x11d: {  	v3 =	vld [tilespmem:s25+$0xFFFFFF80];
	_ =	sdelay $0x3  }
0x11e: {  	[tilespmem:v2+s2+$0x0] =	vst.idx.add.f32.msk $0xffff, v1  }
0x11f: {  	v2 =	vld [tilespmem:s25+$0x10];
	_ =	sdelay $0x2  }
0x120: {  	[tilespmem:v3+s2+$0x0] =	vst.idx.add.f32.msk $0xffff, v1  }
0x121: {  	v3 =	vld [tilespmem:s25+$0xFFFFFF90];
	_ =	sdelay $0x3  }
0x122: {  	[tilespmem:v2+s2+$0x0] =	vst.idx.add.f32.msk $0xffff, v1  }
0x123: {  	v2 =	vld [tilespmem:s25+$0x20];
	_ =	sdelay $0x2  }
0x124: {  	[tilespmem:v3+s2+$0x0] =	vst.idx.add.f32.msk $0xffff, v1  }
0x125: {  	v3 =	vld [tilespmem:s25+$0xFFFFFFA0];
	_ =	sdelay $0x3  }
0x126: {  	[tilespmem:v2+s2+$0x0] =	vst.idx.add.f32.msk $0xffff, v1  }
0x127: {  	v2 =	vld [tilespmem:s25+$0x30]  }
0x128: {  	s26 =	simm.s32 $0x4180  }
0x129: {  	v4 =	vld [tilespmem:s26+$0x0]  }
0x12a: {  	[tilespmem:v3+s2+$0x0] =	vst.idx.add.f32.msk $0xffff, v1  }
0x12b: {  	v3 =	vld [tilespmem:s25+$0xFFFFFFB0];
	_ =	sdelay $0x2  }
0x12c: {  	v5 =	vld [tilespmem:s26+$0xFFFFFF80]  }
0x12d: {  	[tilespmem:v2+s2+$0x0] =	vst.idx.add.f32.msk $0xffff, v1  }
0x12e: {  	v2 =	vld [tilespmem:s25+$0x40]  }
0x12f: {  	[tilespmem:v4+s2+$0x0] =	vst.idx.add.f32.msk $0xffff, v1  }
0x130: {  	v4 =	vld [tilespmem:s26+$0x10]  }
0x131: {  	[tilespmem:v3+s2+$0x0] =	vst.idx.add.f32.msk $0xffff, v1  }
0x132: {  	v3 =	vld [tilespmem:s25+$0xFFFFFFC0];
	_ =	sdelay $0x1  }
0x133: {  	[tilespmem:v5+s2+$0x0] =	vst.idx.add.f32.msk $0xffff, v1  }
0x134: {  	v5 =	vld [tilespmem:s26+$0xFFFFFF90]  }
0x135: {  	[tilespmem:v2+s2+$0x0] =	vst.idx.add.f32.msk $0xffff, v1  }
0x136: {  	v2 =	vld [tilespmem:s25+$0x50]  }
0x137: {  	[tilespmem:v4+s2+$0x0] =	vst.idx.add.f32.msk $0xffff, v1  }
0x138: {  	v4 =	vld [tilespmem:s26+$0x20]  }
0x139: {  	[tilespmem:v3+s2+$0x0] =	vst.idx.add.f32.msk $0xffff, v1  }
0x13a: {  	v3 =	vld [tilespmem:s25+$0xFFFFFFD0];
	_ =	sdelay $0x1  }
0x13b: {  	[tilespmem:v5+s2+$0x0] =	vst.idx.add.f32.msk $0xffff, v1  }
0x13c: {  	v5 =	vld [tilespmem:s26+$0xFFFFFFA0]  }
0x13d: {  	[tilespmem:v2+s2+$0x0] =	vst.idx.add.f32.msk $0xffff, v1  }
0x13e: {  	v6 =	vld [tilespmem:s25+$0x60];
	_ =	sdelay $0x1  }
0x13f: {  	[tilespmem:v4+s2+$0x0] =	vst.idx.add.f32.msk $0xffff, v1  }
0x140: {  	[tilespmem:v3+s2+$0x0] =	vst.idx.add.f32.msk $0xffff, v1  }
0x141: {  	v2 =	vld [tilespmem:s25+$0xFFFFFFE0]  }
0x142: {  	v4 =	vld [tilespmem:s26+$0x30]  }
0x143: {  	[tilespmem:v5+s2+$0x0] =	vst.idx.add.f32.msk $0xffff, v1  }
0x144: {  	v5 =	vld [tilespmem:s26+$0xFFFFFFB0]  }
0x145: {  	[tilespmem:v6+s2+$0x0] =	vst.idx.add.f32.msk $0xffff, v1  }
0x146: {  	s28 =	simm.s32 $0x2;
	s29 =	simm.s32 $0x4280;
	v3 =	vld [tilespmem:s25+$0x70]  }
.LBB2_13:
0x147: {  	v6 =	vld [tilespmem:s29+$0x0];
	s28 =	sadd.s32 $0x2, s28  }
0x148: {  	v7 =	vld [tilespmem:s29+$0xFFFFFF80];
	p1 =	slt.u32 s28, $0x3E  }
0x149: {  	[tilespmem:v2+s2+$0x0] =	vst.idx.add.f32.msk $0xffff, v1  }
0x14a: {  	[tilespmem:v4+s2+$0x0] =	vst.idx.add.f32.msk $0xffff, v1  }
0x14b: {  	v2 =	vld [tilespmem:s26+$0x40]  }
0x14c: {  	[tilespmem:v5+s2+$0x0] =	vst.idx.add.f32.msk $0xffff, v1  }
0x14d: {  	v4 =	vld [tilespmem:s26+$0xFFFFFFC0]  }
0x14e: {  	[tilespmem:v3+s2+$0x0] =	vst.idx.add.f32.msk $0xffff, v1  }
0x14f: {  	[tilespmem:v6+s2+$0x0] =	vst.idx.add.f32.msk $0xffff, v1  }
0x150: {  	v3 =	vld [tilespmem:s29+$0x10]  }
0x151: {  	[tilespmem:v7+s2+$0x0] =	vst.idx.add.f32.msk $0xffff, v1  }
0x152: {  	v5 =	vld [tilespmem:s29+$0xFFFFFF90]  }
0x153: {  	[tilespmem:v2+s2+$0x0] =	vst.idx.add.f32.msk $0xffff, v1  }
0x154: {  	v2 =	vld [tilespmem:s26+$0x50]  }
0x155: {  	[tilespmem:v4+s2+$0x0] =	vst.idx.add.f32.msk $0xffff, v1  }
0x156: {  	v4 =	vld [tilespmem:s26+$0xFFFFFFD0]  }
0x157: {  	v6 =	vld [tilespmem:s25+$0xFFFFFFF0];
	s25 =	smov.u32 s26;
	s26 =	smov.u32 s29  }
0x158: {  	[tilespmem:v3+s2+$0x0] =	vst.idx.add.f32.msk $0xffff, v1  }
0x159: {  	v3 =	vld [tilespmem:s29+$0x20]  }
0x15a: {  	[tilespmem:v5+s2+$0x0] =	vst.idx.add.f32.msk $0xffff, v1  }
0x15b: {  	v5 =	vld [tilespmem:s29+$0xFFFFFFA0]  }
0x15c: {  	[tilespmem:v2+s2+$0x0] =	vst.idx.add.f32.msk $0xffff, v1  }
0x15d: {  	v7 =	vld [tilespmem:s25+$0x60]  }
0x15e: {  	[tilespmem:v4+s2+$0x0] =	vst.idx.add.f32.msk $0xffff, v1  }
0x15f: {  	v2 =	vld [tilespmem:s25+$0xFFFFFFE0]  }
0x160: {  	[tilespmem:v6+s2+$0x0] =	vst.idx.add.f32.msk $0xffff, v1  }
0x161: {  	[tilespmem:v3+s2+$0x0] =	vst.idx.add.f32.msk $0xffff, v1  }
.Ltmp7:
0x162: {  	v4 =	vld [tilespmem:s29+$0x30];
	(pc) =	sbr.rel @p1 .LBB2_13-.Ltmp7, $4  }
0x163: {  	[tilespmem:v5+s2+$0x0] =	vst.idx.add.f32.msk $0xffff, v1  }
0x164: {  	v5 =	vld [tilespmem:s29+$0xFFFFFFB0]  }
0x165: {  	[tilespmem:v7+s2+$0x0] =	vst.idx.add.f32.msk $0xffff, v1  }
0x166: {  	s29 =	sadd.s32 $0x100, s29;
	v3 =	vld [tilespmem:s25+$0x70]  }
0x167: {  	_ =	sdelay $0x3  }
0x168: {  	[tilespmem:v4+s2+$0x0] =	vst.idx.add.f32.msk $0xffff, v1  }
0x169: {  	v4 =	vld [tilespmem:s26+$0x40]  }
0x16a: {  	[tilespmem:v5+s2+$0x0] =	vst.idx.add.f32.msk $0xffff, v1  }
0x16b: {  	v5 =	vld [tilespmem:s26+$0xFFFFFFC0];
	_ =	sdelay $0x5  }
0x16c: {  	[tilespmem:v4+s2+$0x0] =	vst.idx.add.f32.msk $0xffff, v1  }
0x16d: {  	v4 =	vld [tilespmem:s26+$0x50]  }
0x16e: {  	[tilespmem:v5+s2+$0x0] =	vst.idx.add.f32.msk $0xffff, v1  }
0x16f: {  	v5 =	vld [tilespmem:s26+$0xFFFFFFD0];
	_ =	sdelay $0x5  }
0x170: {  	[tilespmem:v4+s2+$0x0] =	vst.idx.add.f32.msk $0xffff, v1  }
0x171: {  	v4 =	vld [tilespmem:s26+$0x60]  }
0x172: {  	[tilespmem:v5+s2+$0x0] =	vst.idx.add.f32.msk $0xffff, v1  }
0x173: {  	v5 =	vld [tilespmem:s26+$0xFFFFFFE0];
	_ =	sdelay $0x3  }
0x174: {  	[tilespmem:v2+s2+$0x0] =	vst.idx.add.f32.msk $0xffff, v1  }
0x175: {  	v2 =	vld [tilespmem:s25+$0xFFFFFFF0]  }
0x176: {  	[tilespmem:v4+s2+$0x0] =	vst.idx.add.f32.msk $0xffff, v1  }
0x177: {  	v4 =	vld [tilespmem:s26+$0x70]  }
0x178: {  	[tilespmem:v5+s2+$0x0] =	vst.idx.add.f32.msk $0xffff, v1  }
0x179: {  	v5 =	vld [tilespmem:s26+$0xFFFFFFF0];
	_ =	sdelay $0x4  }
0x17a: {  	p1 =	seq.s32 s23, $0x7;
	[tilespmem:v3+s2+$0x0] =	vst.idx.add.f32.msk $0xffff, v1  }
0x17b: {  	s24 =	sadd.s32 @!p1 s24, s11;
	[tilespmem:v2+s2+$0x0] =	vst.idx.add.f32.msk $0xffff, v1  }
0x17c: {  	s24 =	sshrl.u32 @!p1 s24, $0x3;
	[tilespmem:v4+s2+$0x0] =	vst.idx.add.f32.msk $0xffff, v1  }
0x17d: {  	s25 =	simm.s32 @!p1 $0x0;
	s24 =	sadd.s32 @!p1 s3, s24;
	s26 =	simm.s32 @!p1 $0x4000;
	[tilespmem:v5+s2+$0x0] =	vst.idx.add.f32.msk $0xffff, v1  }
0x17e: {  	[tilespmem:s26], [sflag:$0x1] =	stream.linear.gather @!p1 [hbm4b:s24+s25], $0x2000, $0x38;
	[tilespmem:$0x8000] =	vst v63  }
0x17f: {  	_ =	swait.ge [sflag:s20], $0x2000  }
0x180: {  	[sflag:s20] =	ssyncset.done $0x0  }
0x181: {  	s24 =	simm.s32 $0x60F0;
	[sflag:s20] =	ssyncadd.s32 $0xFFFFE000  }
0x182: {  	v2 =	vld [tilespmem:s24+$0xFFFFFF90];
	_ =	sdelay $0x3  }
0x183: {  	v3 =	vld [tilespmem:s24+$0xFFFFFF10];
	_ =	sdelay $0x3  }
0x184: {  	[tilespmem:v2+s2+$0x0] =	vst.idx.add.f32.msk $0xffff, v1  }
0x185: {  	v2 =	vld [tilespmem:s24+$0xFFFFFFA0];
	_ =	sdelay $0x2  }
0x186: {  	[tilespmem:v3+s2+$0x0] =	vst.idx.add.f32.msk $0xffff, v1  }
0x187: {  	v3 =	vld [tilespmem:s24+$0xFFFFFF20];
	_ =	sdelay $0x3  }
0x188: {  	[tilespmem:v2+s2+$0x0] =	vst.idx.add.f32.msk $0xffff, v1  }
0x189: {  	v2 =	vld [tilespmem:s24+$0xFFFFFFB0];
	_ =	sdelay $0x2  }
0x18a: {  	[tilespmem:v3+s2+$0x0] =	vst.idx.add.f32.msk $0xffff, v1  }
0x18b: {  	v3 =	vld [tilespmem:s24+$0xFFFFFF30];
	_ =	sdelay $0x3  }
0x18c: {  	[tilespmem:v2+s2+$0x0] =	vst.idx.add.f32.msk $0xffff, v1  }
0x18d: {  	v2 =	vld [tilespmem:s24+$0xFFFFFFC0]  }
0x18e: {  	s25 =	simm.s32 $0x61F0  }
0x18f: {  	v4 =	vld [tilespmem:s25+$0xFFFFFF90]  }
0x190: {  	[tilespmem:v3+s2+$0x0] =	vst.idx.add.f32.msk $0xffff, v1  }
0x191: {  	v3 =	vld [tilespmem:s24+$0xFFFFFF40];
	_ =	sdelay $0x2  }
0x192: {  	v5 =	vld [tilespmem:s25+$0xFFFFFF10]  }
0x193: {  	[tilespmem:v2+s2+$0x0] =	vst.idx.add.f32.msk $0xffff, v1  }
0x194: {  	v2 =	vld [tilespmem:s24+$0xFFFFFFD0]  }
0x195: {  	[tilespmem:v4+s2+$0x0] =	vst.idx.add.f32.msk $0xffff, v1  }
0x196: {  	v4 =	vld [tilespmem:s25+$0xFFFFFFA0]  }
0x197: {  	[tilespmem:v3+s2+$0x0] =	vst.idx.add.f32.msk $0xffff, v1  }
0x198: {  	v3 =	vld [tilespmem:s24+$0xFFFFFF50];
	_ =	sdelay $0x1  }
0x199: {  	[tilespmem:v5+s2+$0x0] =	vst.idx.add.f32.msk $0xffff, v1  }
0x19a: {  	v5 =	vld [tilespmem:s25+$0xFFFFFF20]  }
0x19b: {  	[tilespmem:v2+s2+$0x0] =	vst.idx.add.f32.msk $0xffff, v1  }
0x19c: {  	v2 =	vld [tilespmem:s24+$0xFFFFFFE0]  }
0x19d: {  	[tilespmem:v4+s2+$0x0] =	vst.idx.add.f32.msk $0xffff, v1  }
0x19e: {  	v4 =	vld [tilespmem:s25+$0xFFFFFFB0]  }
0x19f: {  	[tilespmem:v3+s2+$0x0] =	vst.idx.add.f32.msk $0xffff, v1  }
0x1a0: {  	v3 =	vld [tilespmem:s24+$0xFFFFFF60];
	_ =	sdelay $0x1  }
0x1a1: {  	[tilespmem:v5+s2+$0x0] =	vst.idx.add.f32.msk $0xffff, v1  }
0x1a2: {  	v5 =	vld [tilespmem:s25+$0xFFFFFF30]  }
0x1a3: {  	[tilespmem:v2+s2+$0x0] =	vst.idx.add.f32.msk $0xffff, v1  }
0x1a4: {  	v6 =	vld [tilespmem:s24+$0xFFFFFFF0];
	_ =	sdelay $0x1  }
0x1a5: {  	[tilespmem:v4+s2+$0x0] =	vst.idx.add.f32.msk $0xffff, v1  }
0x1a6: {  	[tilespmem:v3+s2+$0x0] =	vst.idx.add.f32.msk $0xffff, v1  }
0x1a7: {  	v2 =	vld [tilespmem:s24+$0xFFFFFF70]  }
0x1a8: {  	v4 =	vld [tilespmem:s25+$0xFFFFFFC0]  }
0x1a9: {  	[tilespmem:v5+s2+$0x0] =	vst.idx.add.f32.msk $0xffff, v1  }
0x1aa: {  	v5 =	vld [tilespmem:s25+$0xFFFFFF40]  }
0x1ab: {  	[tilespmem:v6+s2+$0x0] =	vst.idx.add.f32.msk $0xffff, v1  }
0x1ac: {  	s28 =	simm.s32 $0x62F0;
	s26 =	simm.s32 $0x2;
	v3 =	vld [tilespmem:s24+$0x0]  }
.LBB2_15:
0x1ad: {  	v6 =	vld [tilespmem:s28+$0xFFFFFF90];
	s26 =	sadd.s32 $0x2, s26  }
0x1ae: {  	v7 =	vld [tilespmem:s28+$0xFFFFFF10];
	p1 =	slt.u32 s26, $0x3E  }
0x1af: {  	[tilespmem:v2+s2+$0x0] =	vst.idx.add.f32.msk $0xffff, v1  }
0x1b0: {  	[tilespmem:v4+s2+$0x0] =	vst.idx.add.f32.msk $0xffff, v1  }
0x1b1: {  	v2 =	vld [tilespmem:s25+$0xFFFFFFD0]  }
0x1b2: {  	[tilespmem:v5+s2+$0x0] =	vst.idx.add.f32.msk $0xffff, v1  }
0x1b3: {  	v4 =	vld [tilespmem:s25+$0xFFFFFF50]  }
0x1b4: {  	[tilespmem:v3+s2+$0x0] =	vst.idx.add.f32.msk $0xffff, v1  }
0x1b5: {  	[tilespmem:v6+s2+$0x0] =	vst.idx.add.f32.msk $0xffff, v1  }
0x1b6: {  	v3 =	vld [tilespmem:s28+$0xFFFFFFA0]  }
0x1b7: {  	[tilespmem:v7+s2+$0x0] =	vst.idx.add.f32.msk $0xffff, v1  }
0x1b8: {  	v5 =	vld [tilespmem:s28+$0xFFFFFF20]  }
0x1b9: {  	[tilespmem:v2+s2+$0x0] =	vst.idx.add.f32.msk $0xffff, v1  }
0x1ba: {  	v2 =	vld [tilespmem:s25+$0xFFFFFFE0]  }
0x1bb: {  	[tilespmem:v4+s2+$0x0] =	vst.idx.add.f32.msk $0xffff, v1  }
0x1bc: {  	v4 =	vld [tilespmem:s25+$0xFFFFFF60]  }
0x1bd: {  	v6 =	vld [tilespmem:s24+$0xFFFFFF80];
	s24 =	smov.u32 s25;
	s25 =	smov.u32 s28  }
0x1be: {  	[tilespmem:v3+s2+$0x0] =	vst.idx.add.f32.msk $0xffff, v1  }
0x1bf: {  	v3 =	vld [tilespmem:s28+$0xFFFFFFB0]  }
0x1c0: {  	[tilespmem:v5+s2+$0x0] =	vst.idx.add.f32.msk $0xffff, v1  }
0x1c1: {  	v5 =	vld [tilespmem:s28+$0xFFFFFF30]  }
0x1c2: {  	[tilespmem:v2+s2+$0x0] =	vst.idx.add.f32.msk $0xffff, v1  }
0x1c3: {  	v7 =	vld [tilespmem:s24+$0xFFFFFFF0]  }
0x1c4: {  	[tilespmem:v4+s2+$0x0] =	vst.idx.add.f32.msk $0xffff, v1  }
0x1c5: {  	v2 =	vld [tilespmem:s24+$0xFFFFFF70]  }
0x1c6: {  	[tilespmem:v6+s2+$0x0] =	vst.idx.add.f32.msk $0xffff, v1  }
0x1c7: {  	[tilespmem:v3+s2+$0x0] =	vst.idx.add.f32.msk $0xffff, v1  }
.Ltmp8:
0x1c8: {  	v4 =	vld [tilespmem:s28+$0xFFFFFFC0];
	(pc) =	sbr.rel @p1 .LBB2_15-.Ltmp8, $4  }
0x1c9: {  	[tilespmem:v5+s2+$0x0] =	vst.idx.add.f32.msk $0xffff, v1  }
0x1ca: {  	v5 =	vld [tilespmem:s28+$0xFFFFFF40]  }
0x1cb: {  	[tilespmem:v7+s2+$0x0] =	vst.idx.add.f32.msk $0xffff, v1  }
0x1cc: {  	s28 =	sadd.s32 $0x100, s28;
	v3 =	vld [tilespmem:s24+$0x0]  }
0x1cd: {  	_ =	sdelay $0x3  }
0x1ce: {  	[tilespmem:v4+s2+$0x0] =	vst.idx.add.f32.msk $0xffff, v1  }
0x1cf: {  	v4 =	vld [tilespmem:s25+$0xFFFFFFD0]  }
0x1d0: {  	[tilespmem:v5+s2+$0x0] =	vst.idx.add.f32.msk $0xffff, v1  }
0x1d1: {  	v5 =	vld [tilespmem:s25+$0xFFFFFF50];
	_ =	sdelay $0x5  }
0x1d2: {  	[tilespmem:v4+s2+$0x0] =	vst.idx.add.f32.msk $0xffff, v1  }
0x1d3: {  	v4 =	vld [tilespmem:s25+$0xFFFFFFE0]  }
0x1d4: {  	[tilespmem:v5+s2+$0x0] =	vst.idx.add.f32.msk $0xffff, v1  }
0x1d5: {  	v5 =	vld [tilespmem:s25+$0xFFFFFF60];
	_ =	sdelay $0x5  }
0x1d6: {  	[tilespmem:v4+s2+$0x0] =	vst.idx.add.f32.msk $0xffff, v1  }
0x1d7: {  	v4 =	vld [tilespmem:s25+$0xFFFFFFF0]  }
0x1d8: {  	[tilespmem:v5+s2+$0x0] =	vst.idx.add.f32.msk $0xffff, v1  }
0x1d9: {  	v5 =	vld [tilespmem:s25+$0xFFFFFF70];
	_ =	sdelay $0x3  }
0x1da: {  	[tilespmem:v2+s2+$0x0] =	vst.idx.add.f32.msk $0xffff, v1  }
0x1db: {  	v2 =	vld [tilespmem:s24+$0xFFFFFF80]  }
0x1dc: {  	[tilespmem:v4+s2+$0x0] =	vst.idx.add.f32.msk $0xffff, v1  }
0x1dd: {  	v4 =	vld [tilespmem:s25+$0x0]  }
0x1de: {  	[tilespmem:v5+s2+$0x0] =	vst.idx.add.f32.msk $0xffff, v1  }
0x1df: {  	v5 =	vld [tilespmem:s25+$0xFFFFFF80];
	_ =	sdelay $0x1  }
0x1e0: {  	s23 =	sadd.s32 $0x1, s23  }
0x1e1: {  	p1 =	sne.s32 s23, $0x8  }
.Ltmp9:
0x1e2: {  	_ = 	snop;
	(pc) =	sbr.rel @p1 .LBB2_12-.Ltmp9, $4  }
0x1e3: {  	[tilespmem:v3+s2+$0x0] =	vst.idx.add.f32.msk $0xffff, v1  }
0x1e4: {  	[tilespmem:v2+s2+$0x0] =	vst.idx.add.f32.msk $0xffff, v1  }
0x1e5: {  	[tilespmem:v4+s2+$0x0] =	vst.idx.add.f32.msk $0xffff, v1  }
0x1e6: {  	[tilespmem:v5+s2+$0x0] =	vst.idx.add.f32.msk $0xffff, v1  }
.Ltmp10:
0x1e7: {  	(pc) =	sbr.rel @p0 .LBB2_27-.Ltmp10, $4  }
0x1e8: {  	[hbm4b:s12+s2] =	stream.linear.scatter [tilespmem:s2], [sflag:$0x3], $0x4000, $0x38;
	[tilespmem:$0x8000] =	vst v63  }
0x1e9: {  	_ =	swait.ge [sflag:s21], $0x4000  }
0x1ea: {  	[sflag:s21] =	ssyncset.done $0x0  }
0x1eb: {  	[sflag:s21] =	ssyncadd.s32 $0xFFFFC000  }
0x1ec: {  	[tilespmem:s17], [sflag:$0x1] =	stream.linear.gather [hbm4b:s13+s2], $0x2000, $0x38;
	[tilespmem:$0x8000] =	vst v63  }
0x1ed: {  	s23 =	simm.s32 $0x40  }
0x1ee: {  	[tilespmem:s23+$0xFFFFFFC0] =	vst v0  }
0x1ef: {  	[tilespmem:s23+$0x30] =	vst v0  }
0x1f0: {  	[tilespmem:s23+$0x20] =	vst v0  }
0x1f1: {  	[tilespmem:s23+$0x10] =	vst v0  }
0x1f2: {  	[tilespmem:s23+$0x0] =	vst v0  }
0x1f3: {  	[tilespmem:s23+$0xFFFFFFF0] =	vst v0  }
0x1f4: {  	s24 =	simm.s32 $0x0;
	[tilespmem:s23+$0xFFFFFFE0] =	vst v0  }
.LBB2_19:
0x1f5: {  	s24 =	sadd.s32 $0x8, s24;
	[tilespmem:s23+$0xFFFFFFD0] =	vst v0;
	s23 =	sadd.s32 $0x80, s23  }
0x1f6: {  	[tilespmem:s23+$0xFFFFFFC0] =	vst v0;
	p1 =	slt.u32 s24, $0x3F8  }
0x1f7: {  	[tilespmem:s23+$0x30] =	vst v0  }
.Ltmp11:
0x1f8: {  	[tilespmem:s23+$0x20] =	vst v0;
	(pc) =	sbr.rel @p1 .LBB2_19-.Ltmp11, $4  }
0x1f9: {  	[tilespmem:s23+$0x10] =	vst v0  }
0x1fa: {  	[tilespmem:s23+$0x0] =	vst v0  }
0x1fb: {  	[tilespmem:s23+$0xFFFFFFF0] =	vst v0  }
0x1fc: {  	[tilespmem:s23+$0xFFFFFFE0] =	vst v0  }
0x1fd: {  	[tilespmem:s23+$0xFFFFFFD0] =	vst v0;
	s23 =	simm.s32 $0x0  }
.LBB2_21:
0x1fe: {  	s24 =	sshll.u32 s23, $0xE  }
0x1ff: {  	s25 =	sor.u32 s24, s10  }
0x200: {  	s25 =	sshrl.u32 s25, $0x3  }
0x201: {  	s25 =	sadd.s32 s25, s3  }
0x202: {  	s25 =	sadd.s32 $0x400, s25  }
0x203: {  	[tilespmem:s18], [sflag:$0x2] =	stream.linear.gather [hbm4b:s25+s2], $0x2000, $0x38;
	[tilespmem:$0x8000] =	vst v63  }
0x204: {  	_ =	swait.ge [sflag:s19], $0x2000  }
0x205: {  	[sflag:s19] =	ssyncset.done $0x0  }
0x206: {  	s25 =	simm.s32 $0x4080;
	[sflag:s19] =	ssyncadd.s32 $0xFFFFE000  }
0x207: {  	v2 =	vld [tilespmem:s25+$0x0];
	_ =	sdelay $0x3  }
0x208: {  	v3 =	vld [tilespmem:s25+$0xFFFFFF80];
	_ =	sdelay $0x3  }
0x209: {  	[tilespmem:v2+s2+$0x0] =	vst.idx.add.f32.msk $0xffff, v1  }
0x20a: {  	v2 =	vld [tilespmem:s25+$0x10];
	_ =	sdelay $0x2  }
0x20b: {  	[tilespmem:v3+s2+$0x0] =	vst.idx.add.f32.msk $0xffff, v1  }
0x20c: {  	v3 =	vld [tilespmem:s25+$0xFFFFFF90];
	_ =	sdelay $0x3  }
0x20d: {  	[tilespmem:v2+s2+$0x0] =	vst.idx.add.f32.msk $0xffff, v1  }
0x20e: {  	v2 =	vld [tilespmem:s25+$0x20];
	_ =	sdelay $0x2  }
0x20f: {  	[tilespmem:v3+s2+$0x0] =	vst.idx.add.f32.msk $0xffff, v1  }
0x210: {  	v3 =	vld [tilespmem:s25+$0xFFFFFFA0];
	_ =	sdelay $0x3  }
0x211: {  	[tilespmem:v2+s2+$0x0] =	vst.idx.add.f32.msk $0xffff, v1  }
0x212: {  	v2 =	vld [tilespmem:s25+$0x30]  }
0x213: {  	s26 =	simm.s32 $0x4180  }
0x214: {  	v4 =	vld [tilespmem:s26+$0x0]  }
0x215: {  	[tilespmem:v3+s2+$0x0] =	vst.idx.add.f32.msk $0xffff, v1  }
0x216: {  	v3 =	vld [tilespmem:s25+$0xFFFFFFB0];
	_ =	sdelay $0x2  }
0x217: {  	v5 =	vld [tilespmem:s26+$0xFFFFFF80]  }
0x218: {  	[tilespmem:v2+s2+$0x0] =	vst.idx.add.f32.msk $0xffff, v1  }
0x219: {  	v2 =	vld [tilespmem:s25+$0x40]  }
0x21a: {  	[tilespmem:v4+s2+$0x0] =	vst.idx.add.f32.msk $0xffff, v1  }
0x21b: {  	v4 =	vld [tilespmem:s26+$0x10]  }
0x21c: {  	[tilespmem:v3+s2+$0x0] =	vst.idx.add.f32.msk $0xffff, v1  }
0x21d: {  	v3 =	vld [tilespmem:s25+$0xFFFFFFC0];
	_ =	sdelay $0x1  }
0x21e: {  	[tilespmem:v5+s2+$0x0] =	vst.idx.add.f32.msk $0xffff, v1  }
0x21f: {  	v5 =	vld [tilespmem:s26+$0xFFFFFF90]  }
0x220: {  	[tilespmem:v2+s2+$0x0] =	vst.idx.add.f32.msk $0xffff, v1  }
0x221: {  	v2 =	vld [tilespmem:s25+$0x50]  }
0x222: {  	[tilespmem:v4+s2+$0x0] =	vst.idx.add.f32.msk $0xffff, v1  }
0x223: {  	v4 =	vld [tilespmem:s26+$0x20]  }
0x224: {  	[tilespmem:v3+s2+$0x0] =	vst.idx.add.f32.msk $0xffff, v1  }
0x225: {  	v3 =	vld [tilespmem:s25+$0xFFFFFFD0];
	_ =	sdelay $0x1  }
0x226: {  	[tilespmem:v5+s2+$0x0] =	vst.idx.add.f32.msk $0xffff, v1  }
0x227: {  	v5 =	vld [tilespmem:s26+$0xFFFFFFA0]  }
0x228: {  	[tilespmem:v2+s2+$0x0] =	vst.idx.add.f32.msk $0xffff, v1  }
0x229: {  	v6 =	vld [tilespmem:s25+$0x60];
	_ =	sdelay $0x1  }
0x22a: {  	[tilespmem:v4+s2+$0x0] =	vst.idx.add.f32.msk $0xffff, v1  }
0x22b: {  	[tilespmem:v3+s2+$0x0] =	vst.idx.add.f32.msk $0xffff, v1  }
0x22c: {  	v2 =	vld [tilespmem:s25+$0xFFFFFFE0]  }
0x22d: {  	v4 =	vld [tilespmem:s26+$0x30]  }
0x22e: {  	[tilespmem:v5+s2+$0x0] =	vst.idx.add.f32.msk $0xffff, v1  }
0x22f: {  	v5 =	vld [tilespmem:s26+$0xFFFFFFB0]  }
0x230: {  	[tilespmem:v6+s2+$0x0] =	vst.idx.add.f32.msk $0xffff, v1  }
0x231: {  	s28 =	simm.s32 $0x2;
	s29 =	simm.s32 $0x4280;
	v3 =	vld [tilespmem:s25+$0x70]  }
.LBB2_22:
0x232: {  	v6 =	vld [tilespmem:s29+$0x0];
	s28 =	sadd.s32 $0x2, s28  }
0x233: {  	v7 =	vld [tilespmem:s29+$0xFFFFFF80];
	p1 =	slt.u32 s28, $0x3E  }
0x234: {  	[tilespmem:v2+s2+$0x0] =	vst.idx.add.f32.msk $0xffff, v1  }
0x235: {  	[tilespmem:v4+s2+$0x0] =	vst.idx.add.f32.msk $0xffff, v1  }
0x236: {  	v2 =	vld [tilespmem:s26+$0x40]  }
0x237: {  	[tilespmem:v5+s2+$0x0] =	vst.idx.add.f32.msk $0xffff, v1  }
0x238: {  	v4 =	vld [tilespmem:s26+$0xFFFFFFC0]  }
0x239: {  	[tilespmem:v3+s2+$0x0] =	vst.idx.add.f32.msk $0xffff, v1  }
0x23a: {  	[tilespmem:v6+s2+$0x0] =	vst.idx.add.f32.msk $0xffff, v1  }
0x23b: {  	v3 =	vld [tilespmem:s29+$0x10]  }
0x23c: {  	[tilespmem:v7+s2+$0x0] =	vst.idx.add.f32.msk $0xffff, v1  }
0x23d: {  	v5 =	vld [tilespmem:s29+$0xFFFFFF90]  }
0x23e: {  	[tilespmem:v2+s2+$0x0] =	vst.idx.add.f32.msk $0xffff, v1  }
0x23f: {  	v2 =	vld [tilespmem:s26+$0x50]  }
0x240: {  	[tilespmem:v4+s2+$0x0] =	vst.idx.add.f32.msk $0xffff, v1  }
0x241: {  	v4 =	vld [tilespmem:s26+$0xFFFFFFD0]  }
0x242: {  	v6 =	vld [tilespmem:s25+$0xFFFFFFF0];
	s25 =	smov.u32 s26;
	s26 =	smov.u32 s29  }
0x243: {  	[tilespmem:v3+s2+$0x0] =	vst.idx.add.f32.msk $0xffff, v1  }
0x244: {  	v3 =	vld [tilespmem:s29+$0x20]  }
0x245: {  	[tilespmem:v5+s2+$0x0] =	vst.idx.add.f32.msk $0xffff, v1  }
0x246: {  	v5 =	vld [tilespmem:s29+$0xFFFFFFA0]  }
0x247: {  	[tilespmem:v2+s2+$0x0] =	vst.idx.add.f32.msk $0xffff, v1  }
0x248: {  	v7 =	vld [tilespmem:s25+$0x60]  }
0x249: {  	[tilespmem:v4+s2+$0x0] =	vst.idx.add.f32.msk $0xffff, v1  }
0x24a: {  	v2 =	vld [tilespmem:s25+$0xFFFFFFE0]  }
0x24b: {  	[tilespmem:v6+s2+$0x0] =	vst.idx.add.f32.msk $0xffff, v1  }
0x24c: {  	[tilespmem:v3+s2+$0x0] =	vst.idx.add.f32.msk $0xffff, v1  }
.Ltmp12:
0x24d: {  	v4 =	vld [tilespmem:s29+$0x30];
	(pc) =	sbr.rel @p1 .LBB2_22-.Ltmp12, $4  }
0x24e: {  	[tilespmem:v5+s2+$0x0] =	vst.idx.add.f32.msk $0xffff, v1  }
0x24f: {  	v5 =	vld [tilespmem:s29+$0xFFFFFFB0]  }
0x250: {  	[tilespmem:v7+s2+$0x0] =	vst.idx.add.f32.msk $0xffff, v1  }
0x251: {  	s29 =	sadd.s32 $0x100, s29;
	v3 =	vld [tilespmem:s25+$0x70]  }
0x252: {  	_ =	sdelay $0x3  }
0x253: {  	[tilespmem:v4+s2+$0x0] =	vst.idx.add.f32.msk $0xffff, v1  }
0x254: {  	v4 =	vld [tilespmem:s26+$0x40]  }
0x255: {  	[tilespmem:v5+s2+$0x0] =	vst.idx.add.f32.msk $0xffff, v1  }
0x256: {  	v5 =	vld [tilespmem:s26+$0xFFFFFFC0];
	_ =	sdelay $0x5  }
0x257: {  	[tilespmem:v4+s2+$0x0] =	vst.idx.add.f32.msk $0xffff, v1  }
0x258: {  	v4 =	vld [tilespmem:s26+$0x50]  }
0x259: {  	[tilespmem:v5+s2+$0x0] =	vst.idx.add.f32.msk $0xffff, v1  }
0x25a: {  	v5 =	vld [tilespmem:s26+$0xFFFFFFD0];
	_ =	sdelay $0x5  }
0x25b: {  	[tilespmem:v4+s2+$0x0] =	vst.idx.add.f32.msk $0xffff, v1  }
0x25c: {  	v4 =	vld [tilespmem:s26+$0x60]  }
0x25d: {  	[tilespmem:v5+s2+$0x0] =	vst.idx.add.f32.msk $0xffff, v1  }
0x25e: {  	v5 =	vld [tilespmem:s26+$0xFFFFFFE0];
	_ =	sdelay $0x3  }
0x25f: {  	[tilespmem:v2+s2+$0x0] =	vst.idx.add.f32.msk $0xffff, v1  }
0x260: {  	v2 =	vld [tilespmem:s25+$0xFFFFFFF0]  }
0x261: {  	[tilespmem:v4+s2+$0x0] =	vst.idx.add.f32.msk $0xffff, v1  }
0x262: {  	v4 =	vld [tilespmem:s26+$0x70]  }
0x263: {  	[tilespmem:v5+s2+$0x0] =	vst.idx.add.f32.msk $0xffff, v1  }
0x264: {  	v5 =	vld [tilespmem:s26+$0xFFFFFFF0];
	_ =	sdelay $0x4  }
0x265: {  	p1 =	seq.s32 s23, $0x7;
	[tilespmem:v3+s2+$0x0] =	vst.idx.add.f32.msk $0xffff, v1  }
0x266: {  	s24 =	sadd.s32 @!p1 s24, s14;
	[tilespmem:v2+s2+$0x0] =	vst.idx.add.f32.msk $0xffff, v1  }
0x267: {  	s24 =	sshrl.u32 @!p1 s24, $0x3;
	[tilespmem:v4+s2+$0x0] =	vst.idx.add.f32.msk $0xffff, v1  }
0x268: {  	s25 =	simm.s32 @!p1 $0x0;
	s24 =	sadd.s32 @!p1 s3, s24;
	s26 =	simm.s32 @!p1 $0x4000;
	[tilespmem:v5+s2+$0x0] =	vst.idx.add.f32.msk $0xffff, v1  }
0x269: {  	[tilespmem:s26], [sflag:$0x1] =	stream.linear.gather @!p1 [hbm4b:s24+s25], $0x2000, $0x38;
	[tilespmem:$0x8000] =	vst v63  }
0x26a: {  	_ =	swait.ge [sflag:s20], $0x2000  }
0x26b: {  	[sflag:s20] =	ssyncset.done $0x0  }
0x26c: {  	s24 =	simm.s32 $0x60F0;
	[sflag:s20] =	ssyncadd.s32 $0xFFFFE000  }
0x26d: {  	v2 =	vld [tilespmem:s24+$0xFFFFFF90];
	_ =	sdelay $0x3  }
0x26e: {  	v3 =	vld [tilespmem:s24+$0xFFFFFF10];
	_ =	sdelay $0x3  }
0x26f: {  	[tilespmem:v2+s2+$0x0] =	vst.idx.add.f32.msk $0xffff, v1  }
0x270: {  	v2 =	vld [tilespmem:s24+$0xFFFFFFA0];
	_ =	sdelay $0x2  }
0x271: {  	[tilespmem:v3+s2+$0x0] =	vst.idx.add.f32.msk $0xffff, v1  }
0x272: {  	v3 =	vld [tilespmem:s24+$0xFFFFFF20];
	_ =	sdelay $0x3  }
0x273: {  	[tilespmem:v2+s2+$0x0] =	vst.idx.add.f32.msk $0xffff, v1  }
0x274: {  	v2 =	vld [tilespmem:s24+$0xFFFFFFB0];
	_ =	sdelay $0x2  }
0x275: {  	[tilespmem:v3+s2+$0x0] =	vst.idx.add.f32.msk $0xffff, v1  }
0x276: {  	v3 =	vld [tilespmem:s24+$0xFFFFFF30];
	_ =	sdelay $0x3  }
0x277: {  	[tilespmem:v2+s2+$0x0] =	vst.idx.add.f32.msk $0xffff, v1  }
0x278: {  	v2 =	vld [tilespmem:s24+$0xFFFFFFC0]  }
0x279: {  	s25 =	simm.s32 $0x61F0  }
0x27a: {  	v4 =	vld [tilespmem:s25+$0xFFFFFF90]  }
0x27b: {  	[tilespmem:v3+s2+$0x0] =	vst.idx.add.f32.msk $0xffff, v1  }
0x27c: {  	v3 =	vld [tilespmem:s24+$0xFFFFFF40];
	_ =	sdelay $0x2  }
0x27d: {  	v5 =	vld [tilespmem:s25+$0xFFFFFF10]  }
0x27e: {  	[tilespmem:v2+s2+$0x0] =	vst.idx.add.f32.msk $0xffff, v1  }
0x27f: {  	v2 =	vld [tilespmem:s24+$0xFFFFFFD0]  }
0x280: {  	[tilespmem:v4+s2+$0x0] =	vst.idx.add.f32.msk $0xffff, v1  }
0x281: {  	v4 =	vld [tilespmem:s25+$0xFFFFFFA0]  }
0x282: {  	[tilespmem:v3+s2+$0x0] =	vst.idx.add.f32.msk $0xffff, v1  }
0x283: {  	v3 =	vld [tilespmem:s24+$0xFFFFFF50];
	_ =	sdelay $0x1  }
0x284: {  	[tilespmem:v5+s2+$0x0] =	vst.idx.add.f32.msk $0xffff, v1  }
0x285: {  	v5 =	vld [tilespmem:s25+$0xFFFFFF20]  }
0x286: {  	[tilespmem:v2+s2+$0x0] =	vst.idx.add.f32.msk $0xffff, v1  }
0x287: {  	v2 =	vld [tilespmem:s24+$0xFFFFFFE0]  }
0x288: {  	[tilespmem:v4+s2+$0x0] =	vst.idx.add.f32.msk $0xffff, v1  }
0x289: {  	v4 =	vld [tilespmem:s25+$0xFFFFFFB0]  }
0x28a: {  	[tilespmem:v3+s2+$0x0] =	vst.idx.add.f32.msk $0xffff, v1  }
0x28b: {  	v3 =	vld [tilespmem:s24+$0xFFFFFF60];
	_ =	sdelay $0x1  }
0x28c: {  	[tilespmem:v5+s2+$0x0] =	vst.idx.add.f32.msk $0xffff, v1  }
0x28d: {  	v5 =	vld [tilespmem:s25+$0xFFFFFF30]  }
0x28e: {  	[tilespmem:v2+s2+$0x0] =	vst.idx.add.f32.msk $0xffff, v1  }
0x28f: {  	v6 =	vld [tilespmem:s24+$0xFFFFFFF0];
	_ =	sdelay $0x1  }
0x290: {  	[tilespmem:v4+s2+$0x0] =	vst.idx.add.f32.msk $0xffff, v1  }
0x291: {  	[tilespmem:v3+s2+$0x0] =	vst.idx.add.f32.msk $0xffff, v1  }
0x292: {  	v2 =	vld [tilespmem:s24+$0xFFFFFF70]  }
0x293: {  	v4 =	vld [tilespmem:s25+$0xFFFFFFC0]  }
0x294: {  	[tilespmem:v5+s2+$0x0] =	vst.idx.add.f32.msk $0xffff, v1  }
0x295: {  	v5 =	vld [tilespmem:s25+$0xFFFFFF40]  }
0x296: {  	[tilespmem:v6+s2+$0x0] =	vst.idx.add.f32.msk $0xffff, v1  }
0x297: {  	s28 =	simm.s32 $0x62F0;
	s26 =	simm.s32 $0x2;
	v3 =	vld [tilespmem:s24+$0x0]  }
.LBB2_24:
0x298: {  	v6 =	vld [tilespmem:s28+$0xFFFFFF90];
	s26 =	sadd.s32 $0x2, s26  }
0x299: {  	v7 =	vld [tilespmem:s28+$0xFFFFFF10];
	p1 =	slt.u32 s26, $0x3E  }
0x29a: {  	[tilespmem:v2+s2+$0x0] =	vst.idx.add.f32.msk $0xffff, v1  }
0x29b: {  	[tilespmem:v4+s2+$0x0] =	vst.idx.add.f32.msk $0xffff, v1  }
0x29c: {  	v2 =	vld [tilespmem:s25+$0xFFFFFFD0]  }
0x29d: {  	[tilespmem:v5+s2+$0x0] =	vst.idx.add.f32.msk $0xffff, v1  }
0x29e: {  	v4 =	vld [tilespmem:s25+$0xFFFFFF50]  }
0x29f: {  	[tilespmem:v3+s2+$0x0] =	vst.idx.add.f32.msk $0xffff, v1  }
0x2a0: {  	[tilespmem:v6+s2+$0x0] =	vst.idx.add.f32.msk $0xffff, v1  }
0x2a1: {  	v3 =	vld [tilespmem:s28+$0xFFFFFFA0]  }
0x2a2: {  	[tilespmem:v7+s2+$0x0] =	vst.idx.add.f32.msk $0xffff, v1  }
0x2a3: {  	v5 =	vld [tilespmem:s28+$0xFFFFFF20]  }
0x2a4: {  	[tilespmem:v2+s2+$0x0] =	vst.idx.add.f32.msk $0xffff, v1  }
0x2a5: {  	v2 =	vld [tilespmem:s25+$0xFFFFFFE0]  }
0x2a6: {  	[tilespmem:v4+s2+$0x0] =	vst.idx.add.f32.msk $0xffff, v1  }
0x2a7: {  	v4 =	vld [tilespmem:s25+$0xFFFFFF60]  }
0x2a8: {  	v6 =	vld [tilespmem:s24+$0xFFFFFF80];
	s24 =	smov.u32 s25;
	s25 =	smov.u32 s28  }
0x2a9: {  	[tilespmem:v3+s2+$0x0] =	vst.idx.add.f32.msk $0xffff, v1  }
0x2aa: {  	v3 =	vld [tilespmem:s28+$0xFFFFFFB0]  }
0x2ab: {  	[tilespmem:v5+s2+$0x0] =	vst.idx.add.f32.msk $0xffff, v1  }
0x2ac: {  	v5 =	vld [tilespmem:s28+$0xFFFFFF30]  }
0x2ad: {  	[tilespmem:v2+s2+$0x0] =	vst.idx.add.f32.msk $0xffff, v1  }
0x2ae: {  	v7 =	vld [tilespmem:s24+$0xFFFFFFF0]  }
0x2af: {  	[tilespmem:v4+s2+$0x0] =	vst.idx.add.f32.msk $0xffff, v1  }
0x2b0: {  	v2 =	vld [tilespmem:s24+$0xFFFFFF70]  }
0x2b1: {  	[tilespmem:v6+s2+$0x0] =	vst.idx.add.f32.msk $0xffff, v1  }
0x2b2: {  	[tilespmem:v3+s2+$0x0] =	vst.idx.add.f32.msk $0xffff, v1  }
.Ltmp13:
0x2b3: {  	v4 =	vld [tilespmem:s28+$0xFFFFFFC0];
	(pc) =	sbr.rel @p1 .LBB2_24-.Ltmp13, $4  }
0x2b4: {  	[tilespmem:v5+s2+$0x0] =	vst.idx.add.f32.msk $0xffff, v1  }
0x2b5: {  	v5 =	vld [tilespmem:s28+$0xFFFFFF40]  }
0x2b6: {  	[tilespmem:v7+s2+$0x0] =	vst.idx.add.f32.msk $0xffff, v1  }
0x2b7: {  	s28 =	sadd.s32 $0x100, s28;
	v3 =	vld [tilespmem:s24+$0x0]  }
0x2b8: {  	_ =	sdelay $0x3  }
0x2b9: {  	[tilespmem:v4+s2+$0x0] =	vst.idx.add.f32.msk $0xffff, v1  }
0x2ba: {  	v4 =	vld [tilespmem:s25+$0xFFFFFFD0]  }
0x2bb: {  	[tilespmem:v5+s2+$0x0] =	vst.idx.add.f32.msk $0xffff, v1  }
0x2bc: {  	v5 =	vld [tilespmem:s25+$0xFFFFFF50];
	_ =	sdelay $0x5  }
0x2bd: {  	[tilespmem:v4+s2+$0x0] =	vst.idx.add.f32.msk $0xffff, v1  }
0x2be: {  	v4 =	vld [tilespmem:s25+$0xFFFFFFE0]  }
0x2bf: {  	[tilespmem:v5+s2+$0x0] =	vst.idx.add.f32.msk $0xffff, v1  }
0x2c0: {  	v5 =	vld [tilespmem:s25+$0xFFFFFF60];
	_ =	sdelay $0x5  }
0x2c1: {  	[tilespmem:v4+s2+$0x0] =	vst.idx.add.f32.msk $0xffff, v1  }
0x2c2: {  	v4 =	vld [tilespmem:s25+$0xFFFFFFF0]  }
0x2c3: {  	[tilespmem:v5+s2+$0x0] =	vst.idx.add.f32.msk $0xffff, v1  }
0x2c4: {  	v5 =	vld [tilespmem:s25+$0xFFFFFF70];
	_ =	sdelay $0x3  }
0x2c5: {  	[tilespmem:v2+s2+$0x0] =	vst.idx.add.f32.msk $0xffff, v1  }
0x2c6: {  	v2 =	vld [tilespmem:s24+$0xFFFFFF80]  }
0x2c7: {  	[tilespmem:v4+s2+$0x0] =	vst.idx.add.f32.msk $0xffff, v1  }
0x2c8: {  	v4 =	vld [tilespmem:s25+$0x0]  }
0x2c9: {  	[tilespmem:v5+s2+$0x0] =	vst.idx.add.f32.msk $0xffff, v1  }
0x2ca: {  	v5 =	vld [tilespmem:s25+$0xFFFFFF80];
	_ =	sdelay $0x1  }
0x2cb: {  	s23 =	sadd.s32 $0x1, s23  }
0x2cc: {  	p1 =	sne.s32 s23, $0x8  }
.Ltmp14:
0x2cd: {  	_ = 	snop;
	(pc) =	sbr.rel @p1 .LBB2_21-.Ltmp14, $4  }
0x2ce: {  	[tilespmem:v3+s2+$0x0] =	vst.idx.add.f32.msk $0xffff, v1  }
0x2cf: {  	[tilespmem:v2+s2+$0x0] =	vst.idx.add.f32.msk $0xffff, v1  }
0x2d0: {  	[tilespmem:v4+s2+$0x0] =	vst.idx.add.f32.msk $0xffff, v1  }
0x2d1: {  	[tilespmem:v5+s2+$0x0] =	vst.idx.add.f32.msk $0xffff, v1  }
.Ltmp15:
0x2d2: {  	(pc) =	sbr.rel .LBB2_27-.Ltmp15, $4  }
0x2d3: {  	[hbm4b:s15+s2] =	stream.linear.scatter [tilespmem:s2], [sflag:$0x3], $0x4000, $0x38;
	[tilespmem:$0x8000] =	vst v63  }
0x2d4: {  	_ =	swait.ge [sflag:s21], $0x4000  }
0x2d5: {  	[sflag:s21] =	ssyncset.done $0x0  }
0x2d6: {  	[sflag:s21] =	ssyncadd.s32 $0xFFFFC000  }
.LBB2_28:
0x2d7: {  	_ =	sfence.sel $0x180000  }
0x2d8: {  	[bflag:$0x0] =	sbarrier.arrive $0xFFFF  }
0x2d9: {  	p0 =	sne.s32 s1, $0x0;
	_ =	strace $0x90000047  }
0x2da: {  	s0 =	sadd.s32 @!p0 $0x100000, s0;
	[bflag:$0x2] =	sbarrier.arrive $0xFFFF  }
0x2db: {  	[sflag:s0] =	ssyncadd.tile.s32 @!p0 $0x1;
	_ =	shalt  }
.Lfunc_end2:
_tile_overlayer_lowered:
.L_overlay_start_2:
0x2dc: {  	(tag) =	ssettag $0x2  }
0x2dd: {  	s0 =	rddreg [dreg:$0x0];
	s2 =	stileid.u32  }
0x2de: {  	s1 =	rddreg [dreg:$0x1];
	p0 =	sne.s32 s2, $0x0  }
0x2df: {  	s3 =	rddreg [dreg:$0x2];
	[bflag:$0x3] =	sbarrier.arrive $0xFFFF;
	s2 =	simm.s32 @!p0 $0x1C03  }
0x2e0: {  	[timem:s3], [sflag:s2] =	dma.local @!p0 [hbm:s0], s1  }
0x2e1: {  	s0 =	simm.s32 @!p0 $0x3  }
0x2e2: {  	_ =	swait.ge @!p0 [sflag:s0], s1  }
0x2e3: {  	s1 =	ssub.s32 @!p0 $0x0, s1;
	[sflag:s0] =	ssyncset.done @!p0 $0x0  }
0x2e4: {  	[sflag:s0] =	ssyncadd.s32 @!p0 s1  }
0x2e5: {  	[bflag:$0x3] =	sbarrier.arrive $0xFFFF  }
0x2e6: {  	_ =	shalt  }

</sc_bundles>
